<compile_context>
chip_gen: v7x
topology: tpu7x:2x2x1
jax: 0.10.2.dev20260603
libtpu: 0.0.44.dev20260713+nightly
codegen_flags: <defaults>
</compile_context>

<pallas_src>
import functools

import jax
import jax.numpy as jnp
from jax import lax
from jax.experimental import pallas as pl
from jax.experimental.pallas import tpu as pltpu
from jax.experimental.pallas import tpu_sc as plsc

_NUM_FIELDS = 26
_VOCAB = 100000
_EMBED_DIM = 32
_BATCH = 16384

_NC, _NS, _L = 2, 16, 16
_BHALF = _BATCH // 2
_V0 = 50048
_VT = 99968
_V1 = _VT - _V0
_TAIL = _VOCAB - _VT
_UNROLL = 8


def _sc_embed(tab_t, idx_t, tail_t):
    mesh = plsc.VectorSubcoreMesh(core_axis_name="c", subcore_axis_name="s")

    @functools.partial(
        pl.kernel,
        out_type=jax.ShapeDtypeStruct(
            (_NUM_FIELDS, _EMBED_DIM, _BATCH), jnp.float32),
        mesh=mesh,
        scratch_types=[
            pltpu.VMEM((_V0,), jnp.float32),
            pltpu.VMEM((_V1 + _TAIL,), jnp.float32),
            pltpu.VMEM((_EMBED_DIM * _TAIL,), jnp.float32),
            pltpu.VMEM((_BHALF,), jnp.int32),
            pltpu.VMEM((_BATCH,), jnp.float32),
            pltpu.VMEM_SHARED((2, _BATCH), jnp.int32),
            pltpu.SemaphoreType.DMA,
            pltpu.SemaphoreType.DMA,
            pltpu.SemaphoreType.DMA,
        ],
        compiler_params=pltpu.CompilerParams(use_tc_tiling_on_sc=True,
                                             needs_layout_passes=False),
    )
    def body(tab_hbm, idx_hbm, tail_hbm, out_hbm, row0_v, row1_v, tail_v,
             idx_v, out_v, idx_sh, sem_row, sem_idx, sem_out):
        sid = lax.axis_index("s")
        wid = sid * _NC + lax.axis_index("c")
        d = wid
        lanes = lax.iota(jnp.int32, _L)

        def wait_row0():
            pltpu.make_async_copy(
                tab_hbm.at[0, 0].at[pl.ds(0, _V0)], row0_v, sem_row).wait()

        def wait_row1():
            pltpu.make_async_copy(
                tab_hbm.at[0, 0].at[pl.ds(0, _V1)],
                row1_v.at[pl.ds(0, _V1)], sem_row).wait()
            pltpu.make_async_copy(
                tail_hbm.at[0], tail_v, sem_row).wait()
            for t in range(_TAIL // _L):
                row1_v[pl.ds(_V1 + t * _L, _L)] = tail_v[
                    pl.ds(d * _TAIL + t * _L, _L)]

        def scan_pass(row_buf, lo, hi, ring):
            for h in range(2):
                pltpu.sync_copy(
                    idx_sh.at[ring, pl.ds(h * _BHALF, _BHALF)],
                    idx_v)
                base = h * _BHALF

                @plsc.parallel_loop(0, _BHALF // _L, unroll=_UNROLL)
                def gather_body(g):
                    off = g * _L
                    q = idx_v[pl.ds(off, _L)]
                    m = (q >= lo) & (q < hi)
                    qc = jnp.clip(q - lo, 0, hi - lo - 1)
                    val = plsc.load_gather(row_buf, [qc])
                    plsc.store_scatter(
                        out_v, [base + off + lanes], val, mask=m)

        @pl.when(sid == 0)
        def _():
            pltpu.sync_copy(idx_hbm.at[0], idx_sh.at[0])

        pltpu.async_copy(tab_hbm.at[0, d].at[pl.ds(0, _V0)], row0_v, sem_row)
        plsc.subcore_barrier()

        def outer_body(g, carry):
            for ff in range(2):
                f = g * 2 + ff
                fnext = jnp.minimum(f + 1, _NUM_FIELDS - 1)

                @pl.when(sid == 0)
                def _():
                    pltpu.async_copy(idx_hbm.at[fnext], idx_sh.at[1 - ff],
                                     sem_idx)

                wait_row0()

                @pl.when(f > 0)
                def _():
                    pltpu.make_async_copy(out_v, out_hbm.at[0, 0],
                                          sem_out).wait()

                pltpu.async_copy(tab_hbm.at[f, d].at[pl.ds(_V0, _V1)],
                                 row1_v.at[pl.ds(0, _V1)], sem_row)
                pltpu.async_copy(tail_hbm.at[f], tail_v, sem_row)
                scan_pass(row0_v, 0, _V0, ff)
                wait_row1()
                pltpu.async_copy(tab_hbm.at[fnext, d].at[pl.ds(0, _V0)], row0_v,
                                 sem_row)
                scan_pass(row1_v, _V0, _VOCAB, ff)
                pltpu.async_copy(out_v, out_hbm.at[f, d], sem_out)

                @pl.when(sid == 0)
                def _():
                    pltpu.make_async_copy(idx_hbm.at[0], idx_sh.at[1 - ff],
                                          sem_idx).wait()

                plsc.subcore_barrier()
            return carry

        lax.fori_loop(0, _NUM_FIELDS // 2, outer_body, 0)
        wait_row0()
        pltpu.make_async_copy(out_v, out_hbm.at[0, 0], sem_out).wait()

    return body(tab_t, idx_t, tail_t)


def kernel(categorical_inputs, tables):
    idx_t = categorical_inputs.T.astype(jnp.int32)
    tab_t = tables.transpose(0, 2, 1)
    tail_t = tables[:, _VT:, :].transpose(0, 2, 1).reshape(
        _NUM_FIELDS, _EMBED_DIM * _TAIL)
    out = _sc_embed(tab_t, idx_t, tail_t)
    return jnp.transpose(out, (2, 0, 1))

# --- scband reference (transcript-rebuilt; emitter-appended) ---
"""Pipeline reference for scband-feature-embedding-56796647522970 (READ-ONLY COPY).

The authoritative reference and input builder live on the scoring server;
editing this copy changes nothing except your own understanding.
"""

import jax, jax.numpy as jnp
import numpy as np

NUM_FIELDS = 26
VOCAB = 100000
EMBED_DIM = 32
BATCH = 16384

def setup_inputs(seed: int = 0) -> dict:
    key = jax.random.key(seed)
    k_idx, k_tab = jax.random.split(key)
    categorical_inputs = jax.random.randint(k_idx, (BATCH, NUM_FIELDS), 0, VOCAB, dtype=jnp.int64 if jax.config.jax_enable_x64 else jnp.int32)
    # One embedding table per field, stacked: [NUM_FIELDS, VOCAB, EMBED_DIM]
    tables = jax.random.normal(k_tab, (NUM_FIELDS, VOCAB, EMBED_DIM), dtype=jnp.float32)
    return {"categorical_inputs": categorical_inputs, "tables": tables}

def reference(categorical_inputs, tables):
    # Faithful translation: per-field embedding lookup, then stack along dim=1
    embedded = [jnp.take(tables[i], categorical_inputs[:, i], axis=0) for i in range(tables.shape[0])]
    return jnp.stack(embedded, axis=1)  # [B, NUM_FIELDS, EMBED_DIM]

if __name__ == "__main__":
    import jax
    _d = setup_inputs()
    print(jax.jit(kernel)(*tuple(_d.values())))

</pallas_src>

<mosaic_0001>
#map = affine_map<(d0, d1) -> (0, 0, 0)>
#map1 = affine_map<(d0, d1) -> (0, 0)>
module attributes {stable_mosaic.version = 14 : i64} {
  func.func @body(%arg0: i32, %arg1: i32, %arg2: memref<26x32x100000xf32, #tpu.memory_space<hbm>>, %arg3: memref<26x16384xi32, #tpu.memory_space<hbm>>, %arg4: memref<26x1024xf32, #tpu.memory_space<hbm>>, %arg5: memref<26x32x16384xf32, #tpu.memory_space<hbm>>, %arg6: memref<50048xf32, #tpu.memory_space<vmem>>, %arg7: memref<49952xf32, #tpu.memory_space<vmem>>, %arg8: memref<1024xf32, #tpu.memory_space<vmem>>, %arg9: memref<8192xi32, #tpu.memory_space<vmem>>, %arg10: memref<16384xf32, #tpu.memory_space<vmem>>, %arg11: memref<2x16384xi32, #tpu.memory_space<vmem_shared>>, %arg12: memref<!tpu.dma_semaphore, #tpu.memory_space<semaphore_mem>>, %arg13: memref<!tpu.dma_semaphore, #tpu.memory_space<semaphore_mem>>, %arg14: memref<!tpu.dma_semaphore, #tpu.memory_space<semaphore_mem>>) attributes {dimension_semantics = [#tpu.dimension_semantics<core_parallel>, #tpu.dimension_semantics<subcore_parallel>], iteration_bounds = array<i64: 2, 16>, scalar_prefetch = 0 : i64, scratch_operands = 9 : i64, tpu.core_type = #tpu.core_type<sc_vector_subcore>, window_params = [{transform_indices = #map}, {transform_indices = #map1}, {transform_indices = #map1}, {transform_indices = #map}]} {
    %mul3A = arith.constant 2 : i32
    %mul3A_0 = arith.muli %arg1, %mul3A : i32
    %add3A = arith.addi %mul3A_0, %arg0 : i32
    %iota3A = tpu.iota {dimensions = array<i32: 0>} : vector<16xi32>
    %eq3A = arith.constant 0 : i32
    %eq3A_1 = arith.cmpi eq, %arg1, %eq3A : i32
    %convert_element_type3A = arith.extui %eq3A_1 : i1 to i32
    %cond3A = arith.constant 0 : i32
    %cond3A_2 = arith.cmpi ne, %convert_element_type3A, %cond3A : i32
    scf.if %cond3A_2 {
      %run_scoped3A = arith.constant 0 : i32
      %run_scoped3A_37 = arith.constant 0 : i32
      "tpu.region"() ({
        %run_scoped3A_38 = tpu.sem_alloc : memref<!tpu.dma_semaphore, #tpu.memory_space<semaphore_mem>>
        %dma_start3A_39 = arith.constant 0 : i32
        %dma_start3A_40 = tpu.memref_slice %arg11[%run_scoped3A_37, %dma_start3A_39] : memref<2x16384xi32, #tpu.memory_space<vmem_shared>> -> memref<1x16384xi32, #tpu.memory_space<vmem_shared>>
        %dma_start3A_41 = tpu.memref_squeeze %dma_start3A_40 : memref<1x16384xi32, #tpu.memory_space<vmem_shared>> -> memref<16384xi32, #tpu.memory_space<vmem_shared>>
        %dma_start3A_42 = arith.constant 0 : i32
        %dma_start3A_43 = tpu.memref_slice %arg3[%run_scoped3A, %dma_start3A_42] : memref<26x16384xi32, #tpu.memory_space<hbm>> -> memref<1x16384xi32, #tpu.memory_space<hbm>>
        %dma_start3A_44 = tpu.memref_squeeze %dma_start3A_43 : memref<1x16384xi32, #tpu.memory_space<hbm>> -> memref<16384xi32, #tpu.memory_space<hbm>>
        tpu.enqueue_dma source(%dma_start3A_44 : memref<16384xi32, #tpu.memory_space<hbm>>) target(%dma_start3A_41 : memref<16384xi32, #tpu.memory_space<vmem_shared>>) target_semaphore(%run_scoped3A_38 : memref<!tpu.dma_semaphore, #tpu.memory_space<semaphore_mem>>)
        %dma_wait3A_45 = arith.constant 0 : i32
        %dma_wait3A_46 = tpu.memref_slice %arg11[%run_scoped3A_37, %dma_wait3A_45] : memref<2x16384xi32, #tpu.memory_space<vmem_shared>> -> memref<1x16384xi32, #tpu.memory_space<vmem_shared>>
        %dma_wait3A_47 = tpu.memref_squeeze %dma_wait3A_46 : memref<1x16384xi32, #tpu.memory_space<vmem_shared>> -> memref<16384xi32, #tpu.memory_space<vmem_shared>>
        %dma_wait3A_48 = arith.constant 0 : i32
        %dma_wait3A_49 = tpu.memref_slice %arg3[%run_scoped3A, %dma_wait3A_48] : memref<26x16384xi32, #tpu.memory_space<hbm>> -> memref<1x16384xi32, #tpu.memory_space<hbm>>
        %dma_wait3A_50 = tpu.memref_squeeze %dma_wait3A_49 : memref<1x16384xi32, #tpu.memory_space<hbm>> -> memref<16384xi32, #tpu.memory_space<hbm>>
        tpu.wait_dma2 semaphore(%run_scoped3A_38 : memref<!tpu.dma_semaphore, #tpu.memory_space<semaphore_mem>>) src(%dma_wait3A_50 : memref<16384xi32, #tpu.memory_space<hbm>>) dst(%dma_wait3A_47 : memref<16384xi32, #tpu.memory_space<vmem_shared>>)
        tpu.yield
      }) : () -> ()
    } else {
    }
    %dma_start3A = arith.constant 0 : i32
    %dma_start3A_3 = arith.constant 0 : i32
    %dma_start3A_4 = tpu.memref_slice %arg2[%dma_start3A, %add3A, %dma_start3A_3] : memref<26x32x100000xf32, #tpu.memory_space<hbm>> -> memref<1x1x100000xf32, #tpu.memory_space<hbm>>
    %dma_start3A_5 = tpu.memref_squeeze %dma_start3A_4 : memref<1x1x100000xf32, #tpu.memory_space<hbm>> -> memref<100000xf32, #tpu.memory_space<hbm>>
    %dma_start3A_6 = arith.constant 0 : i32
    %dma_start3A_7 = tpu.memref_slice %dma_start3A_5[%dma_start3A_6] : memref<100000xf32, #tpu.memory_space<hbm>> -> memref<50048xf32, #tpu.memory_space<hbm>>
    %dma_start3A_8 = arith.constant 0 : i32
    %dma_start3A_9 = tpu.memref_slice %arg2[%dma_start3A, %add3A, %dma_start3A_8] : memref<26x32x100000xf32, #tpu.memory_space<hbm>> -> memref<1x1x100000xf32, #tpu.memory_space<hbm>>
    %dma_start3A_10 = tpu.memref_squeeze %dma_start3A_9 : memref<1x1x100000xf32, #tpu.memory_space<hbm>> -> memref<100000xf32, #tpu.memory_space<hbm>>
    %dma_start3A_11 = arith.constant 0 : i32
    %dma_start3A_12 = tpu.memref_slice %dma_start3A_10[%dma_start3A_11] : memref<100000xf32, #tpu.memory_space<hbm>> -> memref<50048xf32, #tpu.memory_space<hbm>>
    tpu.enqueue_dma source(%dma_start3A_12 : memref<50048xf32, #tpu.memory_space<hbm>>) target(%arg6 : memref<50048xf32, #tpu.memory_space<vmem>>) target_semaphore(%arg12 : memref<!tpu.dma_semaphore, #tpu.memory_space<semaphore_mem>>)
    %barrier3A = arith.constant 0 : index
    tpu.barrier barrier_id(%barrier3A)
    %scan3A = arith.constant 0 : i32
    %scan3A_13 = arith.constant 0 : i32
    %scan3A_14 = arith.constant 13 : i32
    %scan3A_15 = arith.addi %scan3A_13, %scan3A_14 : i32
    %scan3A_16 = arith.constant 1 : i32
    scf.for %scan3A_37 = %scan3A_13 to %scan3A_15 step %scan3A_16  : i32 {
      %mul3A_38 = arith.constant 2 : i32
      %mul3A_39 = arith.muli %scan3A_37, %mul3A_38 : i32
      %add3A_40 = arith.constant 0 : i32
      %add3A_41 = arith.addi %mul3A_39, %add3A_40 : i32
      %add3A_42 = arith.constant 1 : i32
      %add3A_43 = arith.addi %add3A_41, %add3A_42 : i32
      %min3A = arith.constant 25 : i32
      %min3A_44 = arith.minsi %add3A_43, %min3A : i32
      %eq3A_45 = arith.constant 0 : i32
      %eq3A_46 = arith.cmpi eq, %arg1, %eq3A_45 : i32
      %convert_element_type3A_47 = arith.extui %eq3A_46 : i1 to i32
      %cond3A_48 = arith.constant 0 : i32
      %cond3A_49 = arith.cmpi ne, %convert_element_type3A_47, %cond3A_48 : i32
      scf.if %cond3A_49 {
        %dma_start3A_286 = arith.constant 1 : i32
        %dma_start3A_287 = arith.constant 0 : i32
        %dma_start3A_288 = tpu.memref_slice %arg11[%dma_start3A_286, %dma_start3A_287] : memref<2x16384xi32, #tpu.memory_space<vmem_shared>> -> memref<1x16384xi32, #tpu.memory_space<vmem_shared>>
        %dma_start3A_289 = tpu.memref_squeeze %dma_start3A_288 : memref<1x16384xi32, #tpu.memory_space<vmem_shared>> -> memref<16384xi32, #tpu.memory_space<vmem_shared>>
        %dma_start3A_290 = arith.constant 0 : i32
        %dma_start3A_291 = tpu.memref_slice %arg3[%min3A_44, %dma_start3A_290] : memref<26x16384xi32, #tpu.memory_space<hbm>> -> memref<1x16384xi32, #tpu.memory_space<hbm>>
        %dma_start3A_292 = tpu.memref_squeeze %dma_start3A_291 : memref<1x16384xi32, #tpu.memory_space<hbm>> -> memref<16384xi32, #tpu.memory_space<hbm>>
        tpu.enqueue_dma source(%dma_start3A_292 : memref<16384xi32, #tpu.memory_space<hbm>>) target(%dma_start3A_289 : memref<16384xi32, #tpu.memory_space<vmem_shared>>) target_semaphore(%arg13 : memref<!tpu.dma_semaphore, #tpu.memory_space<semaphore_mem>>)
      } else {
      }
      %dma_wait3A_50 = arith.constant 0 : i32
      %dma_wait3A_51 = arith.constant 0 : i32
      %dma_wait3A_52 = arith.constant 0 : i32
      %dma_wait3A_53 = tpu.memref_slice %arg2[%dma_wait3A_50, %dma_wait3A_51, %dma_wait3A_52] : memref<26x32x100000xf32, #tpu.memory_space<hbm>> -> memref<1x1x100000xf32, #tpu.memory_space<hbm>>
      %dma_wait3A_54 = tpu.memref_squeeze %dma_wait3A_53 : memref<1x1x100000xf32, #tpu.memory_space<hbm>> -> memref<100000xf32, #tpu.memory_space<hbm>>
      %dma_wait3A_55 = arith.constant 0 : i32
      %dma_wait3A_56 = tpu.memref_slice %dma_wait3A_54[%dma_wait3A_55] : memref<100000xf32, #tpu.memory_space<hbm>> -> memref<50048xf32, #tpu.memory_space<hbm>>
      %dma_wait3A_57 = arith.constant 0 : i32
      %dma_wait3A_58 = tpu.memref_slice %arg2[%dma_wait3A_50, %dma_wait3A_51, %dma_wait3A_57] : memref<26x32x100000xf32, #tpu.memory_space<hbm>> -> memref<1x1x100000xf32, #tpu.memory_space<hbm>>
      %dma_wait3A_59 = tpu.memref_squeeze %dma_wait3A_58 : memref<1x1x100000xf32, #tpu.memory_space<hbm>> -> memref<100000xf32, #tpu.memory_space<hbm>>
      %dma_wait3A_60 = arith.constant 0 : i32
      %dma_wait3A_61 = tpu.memref_slice %dma_wait3A_59[%dma_wait3A_60] : memref<100000xf32, #tpu.memory_space<hbm>> -> memref<50048xf32, #tpu.memory_space<hbm>>
      tpu.wait_dma2 semaphore(%arg12 : memref<!tpu.dma_semaphore, #tpu.memory_space<semaphore_mem>>) src(%dma_wait3A_61 : memref<50048xf32, #tpu.memory_space<hbm>>) dst(%arg6 : memref<50048xf32, #tpu.memory_space<vmem>>)
      %gt3A = arith.constant 0 : i32
      %gt3A_62 = arith.cmpi sgt, %add3A_41, %gt3A : i32
      %convert_element_type3A_63 = arith.extui %gt3A_62 : i1 to i32
      %cond3A_64 = arith.constant 0 : i32
      %cond3A_65 = arith.cmpi ne, %convert_element_type3A_63, %cond3A_64 : i32
      scf.if %cond3A_65 {
        %dma_wait3A_286 = arith.constant 0 : i32
        %dma_wait3A_287 = arith.constant 0 : i32
        %dma_wait3A_288 = arith.constant 0 : i32
        %dma_wait3A_289 = tpu.memref_slice %arg5[%dma_wait3A_286, %dma_wait3A_287, %dma_wait3A_288] : memref<26x32x16384xf32, #tpu.memory_space<hbm>> -> memref<1x1x16384xf32, #tpu.memory_space<hbm>>
        %dma_wait3A_290 = tpu.memref_squeeze %dma_wait3A_289 : memref<1x1x16384xf32, #tpu.memory_space<hbm>> -> memref<16384xf32, #tpu.memory_space<hbm>>
        %dma_wait3A_291 = arith.constant 0 : i32
        %dma_wait3A_292 = tpu.memref_slice %arg5[%dma_wait3A_286, %dma_wait3A_287, %dma_wait3A_291] : memref<26x32x16384xf32, #tpu.memory_space<hbm>> -> memref<1x1x16384xf32, #tpu.memory_space<hbm>>
        %dma_wait3A_293 = tpu.memref_squeeze %dma_wait3A_292 : memref<1x1x16384xf32, #tpu.memory_space<hbm>> -> memref<16384xf32, #tpu.memory_space<hbm>>
        tpu.wait_dma2 semaphore(%arg14 : memref<!tpu.dma_semaphore, #tpu.memory_space<semaphore_mem>>) src(%arg10 : memref<16384xf32, #tpu.memory_space<vmem>>) dst(%dma_wait3A_293 : memref<16384xf32, #tpu.memory_space<hbm>>)
      } else {
      }
      %dma_start3A_66 = arith.constant 0 : i32
      %dma_start3A_67 = tpu.memref_slice %arg7[%dma_start3A_66] : memref<49952xf32, #tpu.memory_space<vmem>> -> memref<49920xf32, #tpu.memory_space<vmem>>
      %dma_start3A_68 = arith.constant 0 : i32
      %dma_start3A_69 = tpu.memref_slice %arg2[%add3A_41, %add3A, %dma_start3A_68] : memref<26x32x100000xf32, #tpu.memory_space<hbm>> -> memref<1x1x100000xf32, #tpu.memory_space<hbm>>
      %dma_start3A_70 = tpu.memref_squeeze %dma_start3A_69 : memref<1x1x100000xf32, #tpu.memory_space<hbm>> -> memref<100000xf32, #tpu.memory_space<hbm>>
      %dma_start3A_71 = arith.constant 50048 : i32
      %dma_start3A_72 = tpu.memref_slice %dma_start3A_70[%dma_start3A_71] : memref<100000xf32, #tpu.memory_space<hbm>> -> memref<49920xf32, #tpu.memory_space<hbm>>
      %dma_start3A_73 = arith.constant 0 : i32
      %dma_start3A_74 = tpu.memref_slice %arg7[%dma_start3A_73] : memref<49952xf32, #tpu.memory_space<vmem>> -> memref<49920xf32, #tpu.memory_space<vmem>>
      %dma_start3A_75 = arith.constant 0 : i32
      %dma_start3A_76 = tpu.memref_slice %arg2[%add3A_41, %add3A, %dma_start3A_75] : memref<26x32x100000xf32, #tpu.memory_space<hbm>> -> memref<1x1x100000xf32, #tpu.memory_space<hbm>>
      %dma_start3A_77 = tpu.memref_squeeze %dma_start3A_76 : memref<1x1x100000xf32, #tpu.memory_space<hbm>> -> memref<100000xf32, #tpu.memory_space<hbm>>
      %dma_start3A_78 = arith.constant 50048 : i32
      %dma_start3A_79 = tpu.memref_slice %dma_start3A_77[%dma_start3A_78] : memref<100000xf32, #tpu.memory_space<hbm>> -> memref<49920xf32, #tpu.memory_space<hbm>>
      tpu.enqueue_dma source(%dma_start3A_79 : memref<49920xf32, #tpu.memory_space<hbm>>) target(%dma_start3A_74 : memref<49920xf32, #tpu.memory_space<vmem>>) target_semaphore(%arg12 : memref<!tpu.dma_semaphore, #tpu.memory_space<semaphore_mem>>)
      %dma_start3A_80 = arith.constant 0 : i32
      %dma_start3A_81 = tpu.memref_slice %arg4[%add3A_41, %dma_start3A_80] : memref<26x1024xf32, #tpu.memory_space<hbm>> -> memref<1x1024xf32, #tpu.memory_space<hbm>>
      %dma_start3A_82 = tpu.memref_squeeze %dma_start3A_81 : memref<1x1024xf32, #tpu.memory_space<hbm>> -> memref<1024xf32, #tpu.memory_space<hbm>>
      %dma_start3A_83 = arith.constant 0 : i32
      %dma_start3A_84 = tpu.memref_slice %arg4[%add3A_41, %dma_start3A_83] : memref<26x1024xf32, #tpu.memory_space<hbm>> -> memref<1x1024xf32, #tpu.memory_space<hbm>>
      %dma_start3A_85 = tpu.memref_squeeze %dma_start3A_84 : memref<1x1024xf32, #tpu.memory_space<hbm>> -> memref<1024xf32, #tpu.memory_space<hbm>>
      tpu.enqueue_dma source(%dma_start3A_85 : memref<1024xf32, #tpu.memory_space<hbm>>) target(%arg8 : memref<1024xf32, #tpu.memory_space<vmem>>) target_semaphore(%arg12 : memref<!tpu.dma_semaphore, #tpu.memory_space<semaphore_mem>>)
      %run_scoped3A = arith.constant 0 : i32
      "tpu.region"() ({
        %run_scoped3A_286 = tpu.sem_alloc : memref<!tpu.dma_semaphore, #tpu.memory_space<semaphore_mem>>
        %dma_start3A_287 = arith.constant 0 : i32
        %dma_start3A_288 = tpu.memref_slice %arg11[%run_scoped3A, %dma_start3A_287] : memref<2x16384xi32, #tpu.memory_space<vmem_shared>> -> memref<1x8192xi32, #tpu.memory_space<vmem_shared>>
        %dma_start3A_289 = tpu.memref_squeeze %dma_start3A_288 : memref<1x8192xi32, #tpu.memory_space<vmem_shared>> -> memref<8192xi32, #tpu.memory_space<vmem_shared>>
        %dma_start3A_290 = arith.constant 0 : i32
        %dma_start3A_291 = tpu.memref_slice %arg11[%run_scoped3A, %dma_start3A_290] : memref<2x16384xi32, #tpu.memory_space<vmem_shared>> -> memref<1x8192xi32, #tpu.memory_space<vmem_shared>>
        %dma_start3A_292 = tpu.memref_squeeze %dma_start3A_291 : memref<1x8192xi32, #tpu.memory_space<vmem_shared>> -> memref<8192xi32, #tpu.memory_space<vmem_shared>>
        tpu.enqueue_dma source(%dma_start3A_292 : memref<8192xi32, #tpu.memory_space<vmem_shared>>) target(%arg9 : memref<8192xi32, #tpu.memory_space<vmem>>) target_semaphore(%run_scoped3A_286 : memref<!tpu.dma_semaphore, #tpu.memory_space<semaphore_mem>>)
        %dma_wait3A_293 = arith.constant 0 : i32
        %dma_wait3A_294 = tpu.memref_slice %arg11[%run_scoped3A, %dma_wait3A_293] : memref<2x16384xi32, #tpu.memory_space<vmem_shared>> -> memref<1x8192xi32, #tpu.memory_space<vmem_shared>>
        %dma_wait3A_295 = tpu.memref_squeeze %dma_wait3A_294 : memref<1x8192xi32, #tpu.memory_space<vmem_shared>> -> memref<8192xi32, #tpu.memory_space<vmem_shared>>
        %dma_wait3A_296 = arith.constant 0 : i32
        %dma_wait3A_297 = tpu.memref_slice %arg11[%run_scoped3A, %dma_wait3A_296] : memref<2x16384xi32, #tpu.memory_space<vmem_shared>> -> memref<1x8192xi32, #tpu.memory_space<vmem_shared>>
        %dma_wait3A_298 = tpu.memref_squeeze %dma_wait3A_297 : memref<1x8192xi32, #tpu.memory_space<vmem_shared>> -> memref<8192xi32, #tpu.memory_space<vmem_shared>>
        tpu.wait_dma2 semaphore(%run_scoped3A_286 : memref<!tpu.dma_semaphore, #tpu.memory_space<semaphore_mem>>) src(%dma_wait3A_298 : memref<8192xi32, #tpu.memory_space<vmem_shared>>) dst(%arg9 : memref<8192xi32, #tpu.memory_space<vmem>>)
        tpu.yield
      }) : () -> ()
      %parallel_loop3A = arith.constant 0 : i32
      %parallel_loop3A_86 = arith.constant 512 : i32
      %parallel_loop3A_87 = arith.constant 1 : i32
      scf.for %parallel_loop3A_286 = %parallel_loop3A to %parallel_loop3A_86 step %parallel_loop3A_87  : i32 {
        %parallel_loop3A_287 = arith.constant 16 : i32
        %parallel_loop3A_288 = arith.muli %parallel_loop3A_286, %parallel_loop3A_287 : i32
        %parallel_loop3A_289 = arith.index_cast %parallel_loop3A_288 : i32 to index
        %parallel_loop3A_290 = tpu.vector_load %arg9[%parallel_loop3A_289] {strides = array<i32>} : memref<8192xi32, #tpu.memory_space<vmem>>, vector<16xi32>,
        %parallel_loop3A_291 = arith.constant 0 : i32
        %parallel_loop3A_292 = vector.broadcast %parallel_loop3A_291 : i32 to vector<16xi32>
        %parallel_loop3A_293 = arith.cmpi sge, %parallel_loop3A_290, %parallel_loop3A_292 : vector<16xi32>
        %parallel_loop3A_294 = arith.constant 50048 : i32
        %parallel_loop3A_295 = vector.broadcast %parallel_loop3A_294 : i32 to vector<16xi32>
        %parallel_loop3A_296 = arith.cmpi slt, %parallel_loop3A_290, %parallel_loop3A_295 : vector<16xi32>
        %parallel_loop3A_297 = arith.andi %parallel_loop3A_293, %parallel_loop3A_296 : vector<16xi1>
        %parallel_loop3A_298 = arith.constant 0 : i32
        %parallel_loop3A_299 = vector.broadcast %parallel_loop3A_298 : i32 to vector<16xi32>
        %parallel_loop3A_300 = arith.subi %parallel_loop3A_290, %parallel_loop3A_299 : vector<16xi32>
        %parallel_loop3A_301 = arith.constant 0 : i32
        %parallel_loop3A_302 = arith.constant 50047 : i32
        %parallel_loop3A_303 = vector.broadcast %parallel_loop3A_301 : i32 to vector<16xi32>
        %parallel_loop3A_304 = arith.maxsi %parallel_loop3A_303, %parallel_loop3A_300 : vector<16xi32>
        %parallel_loop3A_305 = vector.broadcast %parallel_loop3A_302 : i32 to vector<16xi32>
        %parallel_loop3A_306 = arith.minsi %parallel_loop3A_305, %parallel_loop3A_304 : vector<16xi32>
        %parallel_loop3A_307 = tpu.vector_load_idx %arg6[%parallel_loop3A_306] : memref<50048xf32, #tpu.memory_space<vmem>>[vector<16xi32>], vector<16xf32>,
        %parallel_loop3A_308 = arith.constant 0 : i32
        %parallel_loop3A_309 = arith.addi %parallel_loop3A_308, %parallel_loop3A_288 : i32
        %parallel_loop3A_310 = vector.broadcast %parallel_loop3A_309 : i32 to vector<16xi32>
        %parallel_loop3A_311 = arith.addi %parallel_loop3A_310, %iota3A : vector<16xi32>
        tpu.vector_store_idx %arg10[%parallel_loop3A_311], %parallel_loop3A_307 masked %parallel_loop3A_297 : memref<16384xf32, #tpu.memory_space<vmem>>[vector<16xi32>], vector<16xf32>, vector<16xi1>
      } {sc.loop_unroll_factor = 8 : i64, sc.parallel_access}
      %run_scoped3A_88 = arith.constant 0 : i32
      "tpu.region"() ({
        %run_scoped3A_286 = tpu.sem_alloc : memref<!tpu.dma_semaphore, #tpu.memory_space<semaphore_mem>>
        %dma_start3A_287 = arith.constant 8192 : i32
        %dma_start3A_288 = tpu.memref_slice %arg11[%run_scoped3A_88, %dma_start3A_287] : memref<2x16384xi32, #tpu.memory_space<vmem_shared>> -> memref<1x8192xi32, #tpu.memory_space<vmem_shared>>
        %dma_start3A_289 = tpu.memref_squeeze %dma_start3A_288 : memref<1x8192xi32, #tpu.memory_space<vmem_shared>> -> memref<8192xi32, #tpu.memory_space<vmem_shared>>
        %dma_start3A_290 = arith.constant 8192 : i32
        %dma_start3A_291 = tpu.memref_slice %arg11[%run_scoped3A_88, %dma_start3A_290] : memref<2x16384xi32, #tpu.memory_space<vmem_shared>> -> memref<1x8192xi32, #tpu.memory_space<vmem_shared>>
        %dma_start3A_292 = tpu.memref_squeeze %dma_start3A_291 : memref<1x8192xi32, #tpu.memory_space<vmem_shared>> -> memref<8192xi32, #tpu.memory_space<vmem_shared>>
        tpu.enqueue_dma source(%dma_start3A_292 : memref<8192xi32, #tpu.memory_space<vmem_shared>>) target(%arg9 : memref<8192xi32, #tpu.memory_space<vmem>>) target_semaphore(%run_scoped3A_286 : memref<!tpu.dma_semaphore, #tpu.memory_space<semaphore_mem>>)
        %dma_wait3A_293 = arith.constant 8192 : i32
        %dma_wait3A_294 = tpu.memref_slice %arg11[%run_scoped3A_88, %dma_wait3A_293] : memref<2x16384xi32, #tpu.memory_space<vmem_shared>> -> memref<1x8192xi32, #tpu.memory_space<vmem_shared>>
        %dma_wait3A_295 = tpu.memref_squeeze %dma_wait3A_294 : memref<1x8192xi32, #tpu.memory_space<vmem_shared>> -> memref<8192xi32, #tpu.memory_space<vmem_shared>>
        %dma_wait3A_296 = arith.constant 8192 : i32
        %dma_wait3A_297 = tpu.memref_slice %arg11[%run_scoped3A_88, %dma_wait3A_296] : memref<2x16384xi32, #tpu.memory_space<vmem_shared>> -> memref<1x8192xi32, #tpu.memory_space<vmem_shared>>
        %dma_wait3A_298 = tpu.memref_squeeze %dma_wait3A_297 : memref<1x8192xi32, #tpu.memory_space<vmem_shared>> -> memref<8192xi32, #tpu.memory_space<vmem_shared>>
        tpu.wait_dma2 semaphore(%run_scoped3A_286 : memref<!tpu.dma_semaphore, #tpu.memory_space<semaphore_mem>>) src(%dma_wait3A_298 : memref<8192xi32, #tpu.memory_space<vmem_shared>>) dst(%arg9 : memref<8192xi32, #tpu.memory_space<vmem>>)
        tpu.yield
      }) : () -> ()
      %parallel_loop3A_89 = arith.constant 0 : i32
      %parallel_loop3A_90 = arith.constant 512 : i32
      %parallel_loop3A_91 = arith.constant 1 : i32
      scf.for %parallel_loop3A_286 = %parallel_loop3A_89 to %parallel_loop3A_90 step %parallel_loop3A_91  : i32 {
        %parallel_loop3A_287 = arith.constant 16 : i32
        %parallel_loop3A_288 = arith.muli %parallel_loop3A_286, %parallel_loop3A_287 : i32
        %parallel_loop3A_289 = arith.index_cast %parallel_loop3A_288 : i32 to index
        %parallel_loop3A_290 = tpu.vector_load %arg9[%parallel_loop3A_289] {strides = array<i32>} : memref<8192xi32, #tpu.memory_space<vmem>>, vector<16xi32>,
        %parallel_loop3A_291 = arith.constant 0 : i32
        %parallel_loop3A_292 = vector.broadcast %parallel_loop3A_291 : i32 to vector<16xi32>
        %parallel_loop3A_293 = arith.cmpi sge, %parallel_loop3A_290, %parallel_loop3A_292 : vector<16xi32>
        %parallel_loop3A_294 = arith.constant 50048 : i32
        %parallel_loop3A_295 = vector.broadcast %parallel_loop3A_294 : i32 to vector<16xi32>
        %parallel_loop3A_296 = arith.cmpi slt, %parallel_loop3A_290, %parallel_loop3A_295 : vector<16xi32>
        %parallel_loop3A_297 = arith.andi %parallel_loop3A_293, %parallel_loop3A_296 : vector<16xi1>
        %parallel_loop3A_298 = arith.constant 0 : i32
        %parallel_loop3A_299 = vector.broadcast %parallel_loop3A_298 : i32 to vector<16xi32>
        %parallel_loop3A_300 = arith.subi %parallel_loop3A_290, %parallel_loop3A_299 : vector<16xi32>
        %parallel_loop3A_301 = arith.constant 0 : i32
        %parallel_loop3A_302 = arith.constant 50047 : i32
        %parallel_loop3A_303 = vector.broadcast %parallel_loop3A_301 : i32 to vector<16xi32>
        %parallel_loop3A_304 = arith.maxsi %parallel_loop3A_303, %parallel_loop3A_300 : vector<16xi32>
        %parallel_loop3A_305 = vector.broadcast %parallel_loop3A_302 : i32 to vector<16xi32>
        %parallel_loop3A_306 = arith.minsi %parallel_loop3A_305, %parallel_loop3A_304 : vector<16xi32>
        %parallel_loop3A_307 = tpu.vector_load_idx %arg6[%parallel_loop3A_306] : memref<50048xf32, #tpu.memory_space<vmem>>[vector<16xi32>], vector<16xf32>,
        %parallel_loop3A_308 = arith.constant 8192 : i32
        %parallel_loop3A_309 = arith.addi %parallel_loop3A_308, %parallel_loop3A_288 : i32
        %parallel_loop3A_310 = vector.broadcast %parallel_loop3A_309 : i32 to vector<16xi32>
        %parallel_loop3A_311 = arith.addi %parallel_loop3A_310, %iota3A : vector<16xi32>
        tpu.vector_store_idx %arg10[%parallel_loop3A_311], %parallel_loop3A_307 masked %parallel_loop3A_297 : memref<16384xf32, #tpu.memory_space<vmem>>[vector<16xi32>], vector<16xf32>, vector<16xi1>
      } {sc.loop_unroll_factor = 8 : i64, sc.parallel_access}
      %dma_wait3A_92 = arith.constant 0 : i32
      %dma_wait3A_93 = arith.constant 0 : i32
      %dma_wait3A_94 = arith.constant 0 : i32
      %dma_wait3A_95 = tpu.memref_slice %arg7[%dma_wait3A_94] : memref<49952xf32, #tpu.memory_space<vmem>> -> memref<49920xf32, #tpu.memory_space<vmem>>
      %dma_wait3A_96 = arith.constant 0 : i32
      %dma_wait3A_97 = tpu.memref_slice %arg2[%dma_wait3A_92, %dma_wait3A_93, %dma_wait3A_96] : memref<26x32x100000xf32, #tpu.memory_space<hbm>> -> memref<1x1x100000xf32, #tpu.memory_space<hbm>>
      %dma_wait3A_98 = tpu.memref_squeeze %dma_wait3A_97 : memref<1x1x100000xf32, #tpu.memory_space<hbm>> -> memref<100000xf32, #tpu.memory_space<hbm>>
      %dma_wait3A_99 = arith.constant 0 : i32
      %dma_wait3A_100 = tpu.memref_slice %dma_wait3A_98[%dma_wait3A_99] : memref<100000xf32, #tpu.memory_space<hbm>> -> memref<49920xf32, #tpu.memory_space<hbm>>
      %dma_wait3A_101 = arith.constant 0 : i32
      %dma_wait3A_102 = tpu.memref_slice %arg7[%dma_wait3A_101] : memref<49952xf32, #tpu.memory_space<vmem>> -> memref<49920xf32, #tpu.memory_space<vmem>>
      %dma_wait3A_103 = arith.constant 0 : i32
      %dma_wait3A_104 = tpu.memref_slice %arg2[%dma_wait3A_92, %dma_wait3A_93, %dma_wait3A_103] : memref<26x32x100000xf32, #tpu.memory_space<hbm>> -> memref<1x1x100000xf32, #tpu.memory_space<hbm>>
      %dma_wait3A_105 = tpu.memref_squeeze %dma_wait3A_104 : memref<1x1x100000xf32, #tpu.memory_space<hbm>> -> memref<100000xf32, #tpu.memory_space<hbm>>
      %dma_wait3A_106 = arith.constant 0 : i32
      %dma_wait3A_107 = tpu.memref_slice %dma_wait3A_105[%dma_wait3A_106] : memref<100000xf32, #tpu.memory_space<hbm>> -> memref<49920xf32, #tpu.memory_space<hbm>>
      tpu.wait_dma2 semaphore(%arg12 : memref<!tpu.dma_semaphore, #tpu.memory_space<semaphore_mem>>) src(%dma_wait3A_107 : memref<49920xf32, #tpu.memory_space<hbm>>) dst(%dma_wait3A_102 : memref<49920xf32, #tpu.memory_space<vmem>>)
      %dma_wait3A_108 = arith.constant 0 : i32
      %dma_wait3A_109 = arith.constant 0 : i32
      %dma_wait3A_110 = tpu.memref_slice %arg4[%dma_wait3A_108, %dma_wait3A_109] : memref<26x1024xf32, #tpu.memory_space<hbm>> -> memref<1x1024xf32, #tpu.memory_space<hbm>>
      %dma_wait3A_111 = tpu.memref_squeeze %dma_wait3A_110 : memref<1x1024xf32, #tpu.memory_space<hbm>> -> memref<1024xf32, #tpu.memory_space<hbm>>
      %dma_wait3A_112 = arith.constant 0 : i32
      %dma_wait3A_113 = tpu.memref_slice %arg4[%dma_wait3A_108, %dma_wait3A_112] : memref<26x1024xf32, #tpu.memory_space<hbm>> -> memref<1x1024xf32, #tpu.memory_space<hbm>>
      %dma_wait3A_114 = tpu.memref_squeeze %dma_wait3A_113 : memref<1x1024xf32, #tpu.memory_space<hbm>> -> memref<1024xf32, #tpu.memory_space<hbm>>
      tpu.wait_dma2 semaphore(%arg12 : memref<!tpu.dma_semaphore, #tpu.memory_space<semaphore_mem>>) src(%dma_wait3A_114 : memref<1024xf32, #tpu.memory_space<hbm>>) dst(%arg8 : memref<1024xf32, #tpu.memory_space<vmem>>)
      %mul3A_115 = arith.constant 32 : i32
      %mul3A_116 = arith.muli %add3A, %mul3A_115 : i32
      %add3A_117 = arith.constant 0 : i32
      %add3A_118 = arith.addi %mul3A_116, %add3A_117 : i32
      %get3A = arith.index_cast %add3A_118 : i32 to index
      %get3A_119 = tpu.vector_load %arg8[%get3A] {strides = array<i32>} : memref<1024xf32, #tpu.memory_space<vmem>>, vector<16xf32>,
      %swap3A = arith.constant 49920 : index
      %swap3A_120 = tpu.vector_load %arg7[%swap3A] {strides = array<i32>} : memref<49952xf32, #tpu.memory_space<vmem>>, vector<16xf32>,
      tpu.vector_store %arg7[%swap3A], %get3A_119 {strides = array<i32>} : memref<49952xf32, #tpu.memory_space<vmem>>, vector<16xf32>,
      %mul3A_121 = arith.constant 32 : i32
      %mul3A_122 = arith.muli %add3A, %mul3A_121 : i32
      %add3A_123 = arith.constant 16 : i32
      %add3A_124 = arith.addi %mul3A_122, %add3A_123 : i32
      %get3A_125 = arith.index_cast %add3A_124 : i32 to index
      %get3A_126 = tpu.vector_load %arg8[%get3A_125] {strides = array<i32>} : memref<1024xf32, #tpu.memory_space<vmem>>, vector<16xf32>,
      %swap3A_127 = arith.constant 49936 : index
      %swap3A_128 = tpu.vector_load %arg7[%swap3A_127] {strides = array<i32>} : memref<49952xf32, #tpu.memory_space<vmem>>, vector<16xf32>,
      tpu.vector_store %arg7[%swap3A_127], %get3A_126 {strides = array<i32>} : memref<49952xf32, #tpu.memory_space<vmem>>, vector<16xf32>,
      %dma_start3A_129 = arith.constant 0 : i32
      %dma_start3A_130 = tpu.memref_slice %arg2[%min3A_44, %add3A, %dma_start3A_129] : memref<26x32x100000xf32, #tpu.memory_space<hbm>> -> memref<1x1x100000xf32, #tpu.memory_space<hbm>>
      %dma_start3A_131 = tpu.memref_squeeze %dma_start3A_130 : memref<1x1x100000xf32, #tpu.memory_space<hbm>> -> memref<100000xf32, #tpu.memory_space<hbm>>
      %dma_start3A_132 = arith.constant 0 : i32
      %dma_start3A_133 = tpu.memref_slice %dma_start3A_131[%dma_start3A_132] : memref<100000xf32, #tpu.memory_space<hbm>> -> memref<50048xf32, #tpu.memory_space<hbm>>
      %dma_start3A_134 = arith.constant 0 : i32
      %dma_start3A_135 = tpu.memref_slice %arg2[%min3A_44, %add3A, %dma_start3A_134] : memref<26x32x100000xf32, #tpu.memory_space<hbm>> -> memref<1x1x100000xf32, #tpu.memory_space<hbm>>
      %dma_start3A_136 = tpu.memref_squeeze %dma_start3A_135 : memref<1x1x100000xf32, #tpu.memory_space<hbm>> -> memref<100000xf32, #tpu.memory_space<hbm>>
      %dma_start3A_137 = arith.constant 0 : i32
      %dma_start3A_138 = tpu.memref_slice %dma_start3A_136[%dma_start3A_137] : memref<100000xf32, #tpu.memory_space<hbm>> -> memref<50048xf32, #tpu.memory_space<hbm>>
      tpu.enqueue_dma source(%dma_start3A_138 : memref<50048xf32, #tpu.memory_space<hbm>>) target(%arg6 : memref<50048xf32, #tpu.memory_space<vmem>>) target_semaphore(%arg12 : memref<!tpu.dma_semaphore, #tpu.memory_space<semaphore_mem>>)
      %run_scoped3A_139 = arith.constant 0 : i32
      "tpu.region"() ({
        %run_scoped3A_286 = tpu.sem_alloc : memref<!tpu.dma_semaphore, #tpu.memory_space<semaphore_mem>>
        %dma_start3A_287 = arith.constant 0 : i32
        %dma_start3A_288 = tpu.memref_slice %arg11[%run_scoped3A_139, %dma_start3A_287] : memref<2x16384xi32, #tpu.memory_space<vmem_shared>> -> memref<1x8192xi32, #tpu.memory_space<vmem_shared>>
        %dma_start3A_289 = tpu.memref_squeeze %dma_start3A_288 : memref<1x8192xi32, #tpu.memory_space<vmem_shared>> -> memref<8192xi32, #tpu.memory_space<vmem_shared>>
        %dma_start3A_290 = arith.constant 0 : i32
        %dma_start3A_291 = tpu.memref_slice %arg11[%run_scoped3A_139, %dma_start3A_290] : memref<2x16384xi32, #tpu.memory_space<vmem_shared>> -> memref<1x8192xi32, #tpu.memory_space<vmem_shared>>
        %dma_start3A_292 = tpu.memref_squeeze %dma_start3A_291 : memref<1x8192xi32, #tpu.memory_space<vmem_shared>> -> memref<8192xi32, #tpu.memory_space<vmem_shared>>
        tpu.enqueue_dma source(%dma_start3A_292 : memref<8192xi32, #tpu.memory_space<vmem_shared>>) target(%arg9 : memref<8192xi32, #tpu.memory_space<vmem>>) target_semaphore(%run_scoped3A_286 : memref<!tpu.dma_semaphore, #tpu.memory_space<semaphore_mem>>)
        %dma_wait3A_293 = arith.constant 0 : i32
        %dma_wait3A_294 = tpu.memref_slice %arg11[%run_scoped3A_139, %dma_wait3A_293] : memref<2x16384xi32, #tpu.memory_space<vmem_shared>> -> memref<1x8192xi32, #tpu.memory_space<vmem_shared>>
        %dma_wait3A_295 = tpu.memref_squeeze %dma_wait3A_294 : memref<1x8192xi32, #tpu.memory_space<vmem_shared>> -> memref<8192xi32, #tpu.memory_space<vmem_shared>>
        %dma_wait3A_296 = arith.constant 0 : i32
        %dma_wait3A_297 = tpu.memref_slice %arg11[%run_scoped3A_139, %dma_wait3A_296] : memref<2x16384xi32, #tpu.memory_space<vmem_shared>> -> memref<1x8192xi32, #tpu.memory_space<vmem_shared>>
        %dma_wait3A_298 = tpu.memref_squeeze %dma_wait3A_297 : memref<1x8192xi32, #tpu.memory_space<vmem_shared>> -> memref<8192xi32, #tpu.memory_space<vmem_shared>>
        tpu.wait_dma2 semaphore(%run_scoped3A_286 : memref<!tpu.dma_semaphore, #tpu.memory_space<semaphore_mem>>) src(%dma_wait3A_298 : memref<8192xi32, #tpu.memory_space<vmem_shared>>) dst(%arg9 : memref<8192xi32, #tpu.memory_space<vmem>>)
        tpu.yield
      }) : () -> ()
      %parallel_loop3A_140 = arith.constant 0 : i32
      %parallel_loop3A_141 = arith.constant 512 : i32
      %parallel_loop3A_142 = arith.constant 1 : i32
      scf.for %parallel_loop3A_286 = %parallel_loop3A_140 to %parallel_loop3A_141 step %parallel_loop3A_142  : i32 {
        %parallel_loop3A_287 = arith.constant 16 : i32
        %parallel_loop3A_288 = arith.muli %parallel_loop3A_286, %parallel_loop3A_287 : i32
        %parallel_loop3A_289 = arith.index_cast %parallel_loop3A_288 : i32 to index
        %parallel_loop3A_290 = tpu.vector_load %arg9[%parallel_loop3A_289] {strides = array<i32>} : memref<8192xi32, #tpu.memory_space<vmem>>, vector<16xi32>,
        %parallel_loop3A_291 = arith.constant 50048 : i32
        %parallel_loop3A_292 = vector.broadcast %parallel_loop3A_291 : i32 to vector<16xi32>
        %parallel_loop3A_293 = arith.cmpi sge, %parallel_loop3A_290, %parallel_loop3A_292 : vector<16xi32>
        %parallel_loop3A_294 = arith.constant 100000 : i32
        %parallel_loop3A_295 = vector.broadcast %parallel_loop3A_294 : i32 to vector<16xi32>
        %parallel_loop3A_296 = arith.cmpi slt, %parallel_loop3A_290, %parallel_loop3A_295 : vector<16xi32>
        %parallel_loop3A_297 = arith.andi %parallel_loop3A_293, %parallel_loop3A_296 : vector<16xi1>
        %parallel_loop3A_298 = arith.constant 50048 : i32
        %parallel_loop3A_299 = vector.broadcast %parallel_loop3A_298 : i32 to vector<16xi32>
        %parallel_loop3A_300 = arith.subi %parallel_loop3A_290, %parallel_loop3A_299 : vector<16xi32>
        %parallel_loop3A_301 = arith.constant 0 : i32
        %parallel_loop3A_302 = arith.constant 49951 : i32
        %parallel_loop3A_303 = vector.broadcast %parallel_loop3A_301 : i32 to vector<16xi32>
        %parallel_loop3A_304 = arith.maxsi %parallel_loop3A_303, %parallel_loop3A_300 : vector<16xi32>
        %parallel_loop3A_305 = vector.broadcast %parallel_loop3A_302 : i32 to vector<16xi32>
        %parallel_loop3A_306 = arith.minsi %parallel_loop3A_305, %parallel_loop3A_304 : vector<16xi32>
        %parallel_loop3A_307 = tpu.vector_load_idx %arg7[%parallel_loop3A_306] : memref<49952xf32, #tpu.memory_space<vmem>>[vector<16xi32>], vector<16xf32>,
        %parallel_loop3A_308 = arith.constant 0 : i32
        %parallel_loop3A_309 = arith.addi %parallel_loop3A_308, %parallel_loop3A_288 : i32
        %parallel_loop3A_310 = vector.broadcast %parallel_loop3A_309 : i32 to vector<16xi32>
        %parallel_loop3A_311 = arith.addi %parallel_loop3A_310, %iota3A : vector<16xi32>
        tpu.vector_store_idx %arg10[%parallel_loop3A_311], %parallel_loop3A_307 masked %parallel_loop3A_297 : memref<16384xf32, #tpu.memory_space<vmem>>[vector<16xi32>], vector<16xf32>, vector<16xi1>
      } {sc.loop_unroll_factor = 8 : i64, sc.parallel_access}
      %run_scoped3A_143 = arith.constant 0 : i32
      "tpu.region"() ({
        %run_scoped3A_286 = tpu.sem_alloc : memref<!tpu.dma_semaphore, #tpu.memory_space<semaphore_mem>>
        %dma_start3A_287 = arith.constant 8192 : i32
        %dma_start3A_288 = tpu.memref_slice %arg11[%run_scoped3A_143, %dma_start3A_287] : memref<2x16384xi32, #tpu.memory_space<vmem_shared>> -> memref<1x8192xi32, #tpu.memory_space<vmem_shared>>
        %dma_start3A_289 = tpu.memref_squeeze %dma_start3A_288 : memref<1x8192xi32, #tpu.memory_space<vmem_shared>> -> memref<8192xi32, #tpu.memory_space<vmem_shared>>
        %dma_start3A_290 = arith.constant 8192 : i32
        %dma_start3A_291 = tpu.memref_slice %arg11[%run_scoped3A_143, %dma_start3A_290] : memref<2x16384xi32, #tpu.memory_space<vmem_shared>> -> memref<1x8192xi32, #tpu.memory_space<vmem_shared>>
        %dma_start3A_292 = tpu.memref_squeeze %dma_start3A_291 : memref<1x8192xi32, #tpu.memory_space<vmem_shared>> -> memref<8192xi32, #tpu.memory_space<vmem_shared>>
        tpu.enqueue_dma source(%dma_start3A_292 : memref<8192xi32, #tpu.memory_space<vmem_shared>>) target(%arg9 : memref<8192xi32, #tpu.memory_space<vmem>>) target_semaphore(%run_scoped3A_286 : memref<!tpu.dma_semaphore, #tpu.memory_space<semaphore_mem>>)
        %dma_wait3A_293 = arith.constant 8192 : i32
        %dma_wait3A_294 = tpu.memref_slice %arg11[%run_scoped3A_143, %dma_wait3A_293] : memref<2x16384xi32, #tpu.memory_space<vmem_shared>> -> memref<1x8192xi32, #tpu.memory_space<vmem_shared>>
        %dma_wait3A_295 = tpu.memref_squeeze %dma_wait3A_294 : memref<1x8192xi32, #tpu.memory_space<vmem_shared>> -> memref<8192xi32, #tpu.memory_space<vmem_shared>>
        %dma_wait3A_296 = arith.constant 8192 : i32
        %dma_wait3A_297 = tpu.memref_slice %arg11[%run_scoped3A_143, %dma_wait3A_296] : memref<2x16384xi32, #tpu.memory_space<vmem_shared>> -> memref<1x8192xi32, #tpu.memory_space<vmem_shared>>
        %dma_wait3A_298 = tpu.memref_squeeze %dma_wait3A_297 : memref<1x8192xi32, #tpu.memory_space<vmem_shared>> -> memref<8192xi32, #tpu.memory_space<vmem_shared>>
        tpu.wait_dma2 semaphore(%run_scoped3A_286 : memref<!tpu.dma_semaphore, #tpu.memory_space<semaphore_mem>>) src(%dma_wait3A_298 : memref<8192xi32, #tpu.memory_space<vmem_shared>>) dst(%arg9 : memref<8192xi32, #tpu.memory_space<vmem>>)
        tpu.yield
      }) : () -> ()
      %parallel_loop3A_144 = arith.constant 0 : i32
      %parallel_loop3A_145 = arith.constant 512 : i32
      %parallel_loop3A_146 = arith.constant 1 : i32
      scf.for %parallel_loop3A_286 = %parallel_loop3A_144 to %parallel_loop3A_145 step %parallel_loop3A_146  : i32 {
        %parallel_loop3A_287 = arith.constant 16 : i32
        %parallel_loop3A_288 = arith.muli %parallel_loop3A_286, %parallel_loop3A_287 : i32
        %parallel_loop3A_289 = arith.index_cast %parallel_loop3A_288 : i32 to index
        %parallel_loop3A_290 = tpu.vector_load %arg9[%parallel_loop3A_289] {strides = array<i32>} : memref<8192xi32, #tpu.memory_space<vmem>>, vector<16xi32>,
        %parallel_loop3A_291 = arith.constant 50048 : i32
        %parallel_loop3A_292 = vector.broadcast %parallel_loop3A_291 : i32 to vector<16xi32>
        %parallel_loop3A_293 = arith.cmpi sge, %parallel_loop3A_290, %parallel_loop3A_292 : vector<16xi32>
        %parallel_loop3A_294 = arith.constant 100000 : i32
        %parallel_loop3A_295 = vector.broadcast %parallel_loop3A_294 : i32 to vector<16xi32>
        %parallel_loop3A_296 = arith.cmpi slt, %parallel_loop3A_290, %parallel_loop3A_295 : vector<16xi32>
        %parallel_loop3A_297 = arith.andi %parallel_loop3A_293, %parallel_loop3A_296 : vector<16xi1>
        %parallel_loop3A_298 = arith.constant 50048 : i32
        %parallel_loop3A_299 = vector.broadcast %parallel_loop3A_298 : i32 to vector<16xi32>
        %parallel_loop3A_300 = arith.subi %parallel_loop3A_290, %parallel_loop3A_299 : vector<16xi32>
        %parallel_loop3A_301 = arith.constant 0 : i32
        %parallel_loop3A_302 = arith.constant 49951 : i32
        %parallel_loop3A_303 = vector.broadcast %parallel_loop3A_301 : i32 to vector<16xi32>
        %parallel_loop3A_304 = arith.maxsi %parallel_loop3A_303, %parallel_loop3A_300 : vector<16xi32>
        %parallel_loop3A_305 = vector.broadcast %parallel_loop3A_302 : i32 to vector<16xi32>
        %parallel_loop3A_306 = arith.minsi %parallel_loop3A_305, %parallel_loop3A_304 : vector<16xi32>
        %parallel_loop3A_307 = tpu.vector_load_idx %arg7[%parallel_loop3A_306] : memref<49952xf32, #tpu.memory_space<vmem>>[vector<16xi32>], vector<16xf32>,
        %parallel_loop3A_308 = arith.constant 8192 : i32
        %parallel_loop3A_309 = arith.addi %parallel_loop3A_308, %parallel_loop3A_288 : i32
        %parallel_loop3A_310 = vector.broadcast %parallel_loop3A_309 : i32 to vector<16xi32>
        %parallel_loop3A_311 = arith.addi %parallel_loop3A_310, %iota3A : vector<16xi32>
        tpu.vector_store_idx %arg10[%parallel_loop3A_311], %parallel_loop3A_307 masked %parallel_loop3A_297 : memref<16384xf32, #tpu.memory_space<vmem>>[vector<16xi32>], vector<16xf32>, vector<16xi1>
      } {sc.loop_unroll_factor = 8 : i64, sc.parallel_access}
      %dma_start3A_147 = arith.constant 0 : i32
      %dma_start3A_148 = tpu.memref_slice %arg5[%add3A_41, %add3A, %dma_start3A_147] : memref<26x32x16384xf32, #tpu.memory_space<hbm>> -> memref<1x1x16384xf32, #tpu.memory_space<hbm>>
      %dma_start3A_149 = tpu.memref_squeeze %dma_start3A_148 : memref<1x1x16384xf32, #tpu.memory_space<hbm>> -> memref<16384xf32, #tpu.memory_space<hbm>>
      %dma_start3A_150 = arith.constant 0 : i32
      %dma_start3A_151 = tpu.memref_slice %arg5[%add3A_41, %add3A, %dma_start3A_150] : memref<26x32x16384xf32, #tpu.memory_space<hbm>> -> memref<1x1x16384xf32, #tpu.memory_space<hbm>>
      %dma_start3A_152 = tpu.memref_squeeze %dma_start3A_151 : memref<1x1x16384xf32, #tpu.memory_space<hbm>> -> memref<16384xf32, #tpu.memory_space<hbm>>
      tpu.enqueue_dma source(%arg10 : memref<16384xf32, #tpu.memory_space<vmem>>) target(%dma_start3A_152 : memref<16384xf32, #tpu.memory_space<hbm>>) target_semaphore(%arg14 : memref<!tpu.dma_semaphore, #tpu.memory_space<semaphore_mem>>)
      %eq3A_153 = arith.constant 0 : i32
      %eq3A_154 = arith.cmpi eq, %arg1, %eq3A_153 : i32
      %convert_element_type3A_155 = arith.extui %eq3A_154 : i1 to i32
      %cond3A_156 = arith.constant 0 : i32
      %cond3A_157 = arith.cmpi ne, %convert_element_type3A_155, %cond3A_156 : i32
      scf.if %cond3A_157 {
        %dma_wait3A_286 = arith.constant 0 : i32
        %dma_wait3A_287 = arith.constant 1 : i32
        %dma_wait3A_288 = arith.constant 0 : i32
        %dma_wait3A_289 = tpu.memref_slice %arg11[%dma_wait3A_287, %dma_wait3A_288] : memref<2x16384xi32, #tpu.memory_space<vmem_shared>> -> memref<1x16384xi32, #tpu.memory_space<vmem_shared>>
        %dma_wait3A_290 = tpu.memref_squeeze %dma_wait3A_289 : memref<1x16384xi32, #tpu.memory_space<vmem_shared>> -> memref<16384xi32, #tpu.memory_space<vmem_shared>>
        %dma_wait3A_291 = arith.constant 0 : i32
        %dma_wait3A_292 = tpu.memref_slice %arg3[%dma_wait3A_286, %dma_wait3A_291] : memref<26x16384xi32, #tpu.memory_space<hbm>> -> memref<1x16384xi32, #tpu.memory_space<hbm>>
        %dma_wait3A_293 = tpu.memref_squeeze %dma_wait3A_292 : memref<1x16384xi32, #tpu.memory_space<hbm>> -> memref<16384xi32, #tpu.memory_space<hbm>>
        tpu.wait_dma2 semaphore(%arg13 : memref<!tpu.dma_semaphore, #tpu.memory_space<semaphore_mem>>) src(%dma_wait3A_293 : memref<16384xi32, #tpu.memory_space<hbm>>) dst(%dma_wait3A_290 : memref<16384xi32, #tpu.memory_space<vmem_shared>>)
      } else {
      }
      %barrier3A_158 = arith.constant 0 : index
      tpu.barrier barrier_id(%barrier3A_158)
      %mul3A_159 = arith.constant 2 : i32
      %mul3A_160 = arith.muli %scan3A_37, %mul3A_159 : i32
      %add3A_161 = arith.constant 1 : i32
      %add3A_162 = arith.addi %mul3A_160, %add3A_161 : i32
      %add3A_163 = arith.constant 1 : i32
      %add3A_164 = arith.addi %add3A_162, %add3A_163 : i32
      %min3A_165 = arith.constant 25 : i32
      %min3A_166 = arith.minsi %add3A_164, %min3A_165 : i32
      %eq3A_167 = arith.constant 0 : i32
      %eq3A_168 = arith.cmpi eq, %arg1, %eq3A_167 : i32
      %convert_element_type3A_169 = arith.extui %eq3A_168 : i1 to i32
      %cond3A_170 = arith.constant 0 : i32
      %cond3A_171 = arith.cmpi ne, %convert_element_type3A_169, %cond3A_170 : i32
      scf.if %cond3A_171 {
        %dma_start3A_286 = arith.constant 0 : i32
        %dma_start3A_287 = arith.constant 0 : i32
        %dma_start3A_288 = tpu.memref_slice %arg11[%dma_start3A_286, %dma_start3A_287] : memref<2x16384xi32, #tpu.memory_space<vmem_shared>> -> memref<1x16384xi32, #tpu.memory_space<vmem_shared>>
        %dma_start3A_289 = tpu.memref_squeeze %dma_start3A_288 : memref<1x16384xi32, #tpu.memory_space<vmem_shared>> -> memref<16384xi32, #tpu.memory_space<vmem_shared>>
        %dma_start3A_290 = arith.constant 0 : i32
        %dma_start3A_291 = tpu.memref_slice %arg3[%min3A_166, %dma_start3A_290] : memref<26x16384xi32, #tpu.memory_space<hbm>> -> memref<1x16384xi32, #tpu.memory_space<hbm>>
        %dma_start3A_292 = tpu.memref_squeeze %dma_start3A_291 : memref<1x16384xi32, #tpu.memory_space<hbm>> -> memref<16384xi32, #tpu.memory_space<hbm>>
        tpu.enqueue_dma source(%dma_start3A_292 : memref<16384xi32, #tpu.memory_space<hbm>>) target(%dma_start3A_289 : memref<16384xi32, #tpu.memory_space<vmem_shared>>) target_semaphore(%arg13 : memref<!tpu.dma_semaphore, #tpu.memory_space<semaphore_mem>>)
      } else {
      }
      %dma_wait3A_172 = arith.constant 0 : i32
      %dma_wait3A_173 = arith.constant 0 : i32
      %dma_wait3A_174 = arith.constant 0 : i32
      %dma_wait3A_175 = tpu.memref_slice %arg2[%dma_wait3A_172, %dma_wait3A_173, %dma_wait3A_174] : memref<26x32x100000xf32, #tpu.memory_space<hbm>> -> memref<1x1x100000xf32, #tpu.memory_space<hbm>>
      %dma_wait3A_176 = tpu.memref_squeeze %dma_wait3A_175 : memref<1x1x100000xf32, #tpu.memory_space<hbm>> -> memref<100000xf32, #tpu.memory_space<hbm>>
      %dma_wait3A_177 = arith.constant 0 : i32
      %dma_wait3A_178 = tpu.memref_slice %dma_wait3A_176[%dma_wait3A_177] : memref<100000xf32, #tpu.memory_space<hbm>> -> memref<50048xf32, #tpu.memory_space<hbm>>
      %dma_wait3A_179 = arith.constant 0 : i32
      %dma_wait3A_180 = tpu.memref_slice %arg2[%dma_wait3A_172, %dma_wait3A_173, %dma_wait3A_179] : memref<26x32x100000xf32, #tpu.memory_space<hbm>> -> memref<1x1x100000xf32, #tpu.memory_space<hbm>>
      %dma_wait3A_181 = tpu.memref_squeeze %dma_wait3A_180 : memref<1x1x100000xf32, #tpu.memory_space<hbm>> -> memref<100000xf32, #tpu.memory_space<hbm>>
      %dma_wait3A_182 = arith.constant 0 : i32
      %dma_wait3A_183 = tpu.memref_slice %dma_wait3A_181[%dma_wait3A_182] : memref<100000xf32, #tpu.memory_space<hbm>> -> memref<50048xf32, #tpu.memory_space<hbm>>
      tpu.wait_dma2 semaphore(%arg12 : memref<!tpu.dma_semaphore, #tpu.memory_space<semaphore_mem>>) src(%dma_wait3A_183 : memref<50048xf32, #tpu.memory_space<hbm>>) dst(%arg6 : memref<50048xf32, #tpu.memory_space<vmem>>)
      %gt3A_184 = arith.constant 0 : i32
      %gt3A_185 = arith.cmpi sgt, %add3A_162, %gt3A_184 : i32
      %convert_element_type3A_186 = arith.extui %gt3A_185 : i1 to i32
      %cond3A_187 = arith.constant 0 : i32
      %cond3A_188 = arith.cmpi ne, %convert_element_type3A_186, %cond3A_187 : i32
      scf.if %cond3A_188 {
        %dma_wait3A_286 = arith.constant 0 : i32
        %dma_wait3A_287 = arith.constant 0 : i32
        %dma_wait3A_288 = arith.constant 0 : i32
        %dma_wait3A_289 = tpu.memref_slice %arg5[%dma_wait3A_286, %dma_wait3A_287, %dma_wait3A_288] : memref<26x32x16384xf32, #tpu.memory_space<hbm>> -> memref<1x1x16384xf32, #tpu.memory_space<hbm>>
        %dma_wait3A_290 = tpu.memref_squeeze %dma_wait3A_289 : memref<1x1x16384xf32, #tpu.memory_space<hbm>> -> memref<16384xf32, #tpu.memory_space<hbm>>
        %dma_wait3A_291 = arith.constant 0 : i32
        %dma_wait3A_292 = tpu.memref_slice %arg5[%dma_wait3A_286, %dma_wait3A_287, %dma_wait3A_291] : memref<26x32x16384xf32, #tpu.memory_space<hbm>> -> memref<1x1x16384xf32, #tpu.memory_space<hbm>>
        %dma_wait3A_293 = tpu.memref_squeeze %dma_wait3A_292 : memref<1x1x16384xf32, #tpu.memory_space<hbm>> -> memref<16384xf32, #tpu.memory_space<hbm>>
        tpu.wait_dma2 semaphore(%arg14 : memref<!tpu.dma_semaphore, #tpu.memory_space<semaphore_mem>>) src(%arg10 : memref<16384xf32, #tpu.memory_space<vmem>>) dst(%dma_wait3A_293 : memref<16384xf32, #tpu.memory_space<hbm>>)
      } else {
      }
      %dma_start3A_189 = arith.constant 0 : i32
      %dma_start3A_190 = tpu.memref_slice %arg7[%dma_start3A_189] : memref<49952xf32, #tpu.memory_space<vmem>> -> memref<49920xf32, #tpu.memory_space<vmem>>
      %dma_start3A_191 = arith.constant 0 : i32
      %dma_start3A_192 = tpu.memref_slice %arg2[%add3A_162, %add3A, %dma_start3A_191] : memref<26x32x100000xf32, #tpu.memory_space<hbm>> -> memref<1x1x100000xf32, #tpu.memory_space<hbm>>
      %dma_start3A_193 = tpu.memref_squeeze %dma_start3A_192 : memref<1x1x100000xf32, #tpu.memory_space<hbm>> -> memref<100000xf32, #tpu.memory_space<hbm>>
      %dma_start3A_194 = arith.constant 50048 : i32
      %dma_start3A_195 = tpu.memref_slice %dma_start3A_193[%dma_start3A_194] : memref<100000xf32, #tpu.memory_space<hbm>> -> memref<49920xf32, #tpu.memory_space<hbm>>
      %dma_start3A_196 = arith.constant 0 : i32
      %dma_start3A_197 = tpu.memref_slice %arg7[%dma_start3A_196] : memref<49952xf32, #tpu.memory_space<vmem>> -> memref<49920xf32, #tpu.memory_space<vmem>>
      %dma_start3A_198 = arith.constant 0 : i32
      %dma_start3A_199 = tpu.memref_slice %arg2[%add3A_162, %add3A, %dma_start3A_198] : memref<26x32x100000xf32, #tpu.memory_space<hbm>> -> memref<1x1x100000xf32, #tpu.memory_space<hbm>>
      %dma_start3A_200 = tpu.memref_squeeze %dma_start3A_199 : memref<1x1x100000xf32, #tpu.memory_space<hbm>> -> memref<100000xf32, #tpu.memory_space<hbm>>
      %dma_start3A_201 = arith.constant 50048 : i32
      %dma_start3A_202 = tpu.memref_slice %dma_start3A_200[%dma_start3A_201] : memref<100000xf32, #tpu.memory_space<hbm>> -> memref<49920xf32, #tpu.memory_space<hbm>>
      tpu.enqueue_dma source(%dma_start3A_202 : memref<49920xf32, #tpu.memory_space<hbm>>) target(%dma_start3A_197 : memref<49920xf32, #tpu.memory_space<vmem>>) target_semaphore(%arg12 : memref<!tpu.dma_semaphore, #tpu.memory_space<semaphore_mem>>)
      %dma_start3A_203 = arith.constant 0 : i32
      %dma_start3A_204 = tpu.memref_slice %arg4[%add3A_162, %dma_start3A_203] : memref<26x1024xf32, #tpu.memory_space<hbm>> -> memref<1x1024xf32, #tpu.memory_space<hbm>>
      %dma_start3A_205 = tpu.memref_squeeze %dma_start3A_204 : memref<1x1024xf32, #tpu.memory_space<hbm>> -> memref<1024xf32, #tpu.memory_space<hbm>>
      %dma_start3A_206 = arith.constant 0 : i32
      %dma_start3A_207 = tpu.memref_slice %arg4[%add3A_162, %dma_start3A_206] : memref<26x1024xf32, #tpu.memory_space<hbm>> -> memref<1x1024xf32, #tpu.memory_space<hbm>>
      %dma_start3A_208 = tpu.memref_squeeze %dma_start3A_207 : memref<1x1024xf32, #tpu.memory_space<hbm>> -> memref<1024xf32, #tpu.memory_space<hbm>>
      tpu.enqueue_dma source(%dma_start3A_208 : memref<1024xf32, #tpu.memory_space<hbm>>) target(%arg8 : memref<1024xf32, #tpu.memory_space<vmem>>) target_semaphore(%arg12 : memref<!tpu.dma_semaphore, #tpu.memory_space<semaphore_mem>>)
      %run_scoped3A_209 = arith.constant 1 : i32
      "tpu.region"() ({
        %run_scoped3A_286 = tpu.sem_alloc : memref<!tpu.dma_semaphore, #tpu.memory_space<semaphore_mem>>
        %dma_start3A_287 = arith.constant 0 : i32
        %dma_start3A_288 = tpu.memref_slice %arg11[%run_scoped3A_209, %dma_start3A_287] : memref<2x16384xi32, #tpu.memory_space<vmem_shared>> -> memref<1x8192xi32, #tpu.memory_space<vmem_shared>>
        %dma_start3A_289 = tpu.memref_squeeze %dma_start3A_288 : memref<1x8192xi32, #tpu.memory_space<vmem_shared>> -> memref<8192xi32, #tpu.memory_space<vmem_shared>>
        %dma_start3A_290 = arith.constant 0 : i32
        %dma_start3A_291 = tpu.memref_slice %arg11[%run_scoped3A_209, %dma_start3A_290] : memref<2x16384xi32, #tpu.memory_space<vmem_shared>> -> memref<1x8192xi32, #tpu.memory_space<vmem_shared>>
        %dma_start3A_292 = tpu.memref_squeeze %dma_start3A_291 : memref<1x8192xi32, #tpu.memory_space<vmem_shared>> -> memref<8192xi32, #tpu.memory_space<vmem_shared>>
        tpu.enqueue_dma source(%dma_start3A_292 : memref<8192xi32, #tpu.memory_space<vmem_shared>>) target(%arg9 : memref<8192xi32, #tpu.memory_space<vmem>>) target_semaphore(%run_scoped3A_286 : memref<!tpu.dma_semaphore, #tpu.memory_space<semaphore_mem>>)
        %dma_wait3A_293 = arith.constant 0 : i32
        %dma_wait3A_294 = tpu.memref_slice %arg11[%run_scoped3A_209, %dma_wait3A_293] : memref<2x16384xi32, #tpu.memory_space<vmem_shared>> -> memref<1x8192xi32, #tpu.memory_space<vmem_shared>>
        %dma_wait3A_295 = tpu.memref_squeeze %dma_wait3A_294 : memref<1x8192xi32, #tpu.memory_space<vmem_shared>> -> memref<8192xi32, #tpu.memory_space<vmem_shared>>
        %dma_wait3A_296 = arith.constant 0 : i32
        %dma_wait3A_297 = tpu.memref_slice %arg11[%run_scoped3A_209, %dma_wait3A_296] : memref<2x16384xi32, #tpu.memory_space<vmem_shared>> -> memref<1x8192xi32, #tpu.memory_space<vmem_shared>>
        %dma_wait3A_298 = tpu.memref_squeeze %dma_wait3A_297 : memref<1x8192xi32, #tpu.memory_space<vmem_shared>> -> memref<8192xi32, #tpu.memory_space<vmem_shared>>
        tpu.wait_dma2 semaphore(%run_scoped3A_286 : memref<!tpu.dma_semaphore, #tpu.memory_space<semaphore_mem>>) src(%dma_wait3A_298 : memref<8192xi32, #tpu.memory_space<vmem_shared>>) dst(%arg9 : memref<8192xi32, #tpu.memory_space<vmem>>)
        tpu.yield
      }) : () -> ()
      %parallel_loop3A_210 = arith.constant 0 : i32
      %parallel_loop3A_211 = arith.constant 512 : i32
      %parallel_loop3A_212 = arith.constant 1 : i32
      scf.for %parallel_loop3A_286 = %parallel_loop3A_210 to %parallel_loop3A_211 step %parallel_loop3A_212  : i32 {
        %parallel_loop3A_287 = arith.constant 16 : i32
        %parallel_loop3A_288 = arith.muli %parallel_loop3A_286, %parallel_loop3A_287 : i32
        %parallel_loop3A_289 = arith.index_cast %parallel_loop3A_288 : i32 to index
        %parallel_loop3A_290 = tpu.vector_load %arg9[%parallel_loop3A_289] {strides = array<i32>} : memref<8192xi32, #tpu.memory_space<vmem>>, vector<16xi32>,
        %parallel_loop3A_291 = arith.constant 0 : i32
        %parallel_loop3A_292 = vector.broadcast %parallel_loop3A_291 : i32 to vector<16xi32>
        %parallel_loop3A_293 = arith.cmpi sge, %parallel_loop3A_290, %parallel_loop3A_292 : vector<16xi32>
        %parallel_loop3A_294 = arith.constant 50048 : i32
        %parallel_loop3A_295 = vector.broadcast %parallel_loop3A_294 : i32 to vector<16xi32>
        %parallel_loop3A_296 = arith.cmpi slt, %parallel_loop3A_290, %parallel_loop3A_295 : vector<16xi32>
        %parallel_loop3A_297 = arith.andi %parallel_loop3A_293, %parallel_loop3A_296 : vector<16xi1>
        %parallel_loop3A_298 = arith.constant 0 : i32
        %parallel_loop3A_299 = vector.broadcast %parallel_loop3A_298 : i32 to vector<16xi32>
        %parallel_loop3A_300 = arith.subi %parallel_loop3A_290, %parallel_loop3A_299 : vector<16xi32>
        %parallel_loop3A_301 = arith.constant 0 : i32
        %parallel_loop3A_302 = arith.constant 50047 : i32
        %parallel_loop3A_303 = vector.broadcast %parallel_loop3A_301 : i32 to vector<16xi32>
        %parallel_loop3A_304 = arith.maxsi %parallel_loop3A_303, %parallel_loop3A_300 : vector<16xi32>
        %parallel_loop3A_305 = vector.broadcast %parallel_loop3A_302 : i32 to vector<16xi32>
        %parallel_loop3A_306 = arith.minsi %parallel_loop3A_305, %parallel_loop3A_304 : vector<16xi32>
        %parallel_loop3A_307 = tpu.vector_load_idx %arg6[%parallel_loop3A_306] : memref<50048xf32, #tpu.memory_space<vmem>>[vector<16xi32>], vector<16xf32>,
        %parallel_loop3A_308 = arith.constant 0 : i32
        %parallel_loop3A_309 = arith.addi %parallel_loop3A_308, %parallel_loop3A_288 : i32
        %parallel_loop3A_310 = vector.broadcast %parallel_loop3A_309 : i32 to vector<16xi32>
        %parallel_loop3A_311 = arith.addi %parallel_loop3A_310, %iota3A : vector<16xi32>
        tpu.vector_store_idx %arg10[%parallel_loop3A_311], %parallel_loop3A_307 masked %parallel_loop3A_297 : memref<16384xf32, #tpu.memory_space<vmem>>[vector<16xi32>], vector<16xf32>, vector<16xi1>
      } {sc.loop_unroll_factor = 8 : i64, sc.parallel_access}
      %run_scoped3A_213 = arith.constant 1 : i32
      "tpu.region"() ({
        %run_scoped3A_286 = tpu.sem_alloc : memref<!tpu.dma_semaphore, #tpu.memory_space<semaphore_mem>>
        %dma_start3A_287 = arith.constant 8192 : i32
        %dma_start3A_288 = tpu.memref_slice %arg11[%run_scoped3A_213, %dma_start3A_287] : memref<2x16384xi32, #tpu.memory_space<vmem_shared>> -> memref<1x8192xi32, #tpu.memory_space<vmem_shared>>
        %dma_start3A_289 = tpu.memref_squeeze %dma_start3A_288 : memref<1x8192xi32, #tpu.memory_space<vmem_shared>> -> memref<8192xi32, #tpu.memory_space<vmem_shared>>
        %dma_start3A_290 = arith.constant 8192 : i32
        %dma_start3A_291 = tpu.memref_slice %arg11[%run_scoped3A_213, %dma_start3A_290] : memref<2x16384xi32, #tpu.memory_space<vmem_shared>> -> memref<1x8192xi32, #tpu.memory_space<vmem_shared>>
        %dma_start3A_292 = tpu.memref_squeeze %dma_start3A_291 : memref<1x8192xi32, #tpu.memory_space<vmem_shared>> -> memref<8192xi32, #tpu.memory_space<vmem_shared>>
        tpu.enqueue_dma source(%dma_start3A_292 : memref<8192xi32, #tpu.memory_space<vmem_shared>>) target(%arg9 : memref<8192xi32, #tpu.memory_space<vmem>>) target_semaphore(%run_scoped3A_286 : memref<!tpu.dma_semaphore, #tpu.memory_space<semaphore_mem>>)
        %dma_wait3A_293 = arith.constant 8192 : i32
        %dma_wait3A_294 = tpu.memref_slice %arg11[%run_scoped3A_213, %dma_wait3A_293] : memref<2x16384xi32, #tpu.memory_space<vmem_shared>> -> memref<1x8192xi32, #tpu.memory_space<vmem_shared>>
        %dma_wait3A_295 = tpu.memref_squeeze %dma_wait3A_294 : memref<1x8192xi32, #tpu.memory_space<vmem_shared>> -> memref<8192xi32, #tpu.memory_space<vmem_shared>>
        %dma_wait3A_296 = arith.constant 8192 : i32
        %dma_wait3A_297 = tpu.memref_slice %arg11[%run_scoped3A_213, %dma_wait3A_296] : memref<2x16384xi32, #tpu.memory_space<vmem_shared>> -> memref<1x8192xi32, #tpu.memory_space<vmem_shared>>
        %dma_wait3A_298 = tpu.memref_squeeze %dma_wait3A_297 : memref<1x8192xi32, #tpu.memory_space<vmem_shared>> -> memref<8192xi32, #tpu.memory_space<vmem_shared>>
        tpu.wait_dma2 semaphore(%run_scoped3A_286 : memref<!tpu.dma_semaphore, #tpu.memory_space<semaphore_mem>>) src(%dma_wait3A_298 : memref<8192xi32, #tpu.memory_space<vmem_shared>>) dst(%arg9 : memref<8192xi32, #tpu.memory_space<vmem>>)
        tpu.yield
      }) : () -> ()
      %parallel_loop3A_214 = arith.constant 0 : i32
      %parallel_loop3A_215 = arith.constant 512 : i32
      %parallel_loop3A_216 = arith.constant 1 : i32
      scf.for %parallel_loop3A_286 = %parallel_loop3A_214 to %parallel_loop3A_215 step %parallel_loop3A_216  : i32 {
        %parallel_loop3A_287 = arith.constant 16 : i32
        %parallel_loop3A_288 = arith.muli %parallel_loop3A_286, %parallel_loop3A_287 : i32
        %parallel_loop3A_289 = arith.index_cast %parallel_loop3A_288 : i32 to index
        %parallel_loop3A_290 = tpu.vector_load %arg9[%parallel_loop3A_289] {strides = array<i32>} : memref<8192xi32, #tpu.memory_space<vmem>>, vector<16xi32>,
        %parallel_loop3A_291 = arith.constant 0 : i32
        %parallel_loop3A_292 = vector.broadcast %parallel_loop3A_291 : i32 to vector<16xi32>
        %parallel_loop3A_293 = arith.cmpi sge, %parallel_loop3A_290, %parallel_loop3A_292 : vector<16xi32>
        %parallel_loop3A_294 = arith.constant 50048 : i32
        %parallel_loop3A_295 = vector.broadcast %parallel_loop3A_294 : i32 to vector<16xi32>
        %parallel_loop3A_296 = arith.cmpi slt, %parallel_loop3A_290, %parallel_loop3A_295 : vector<16xi32>
        %parallel_loop3A_297 = arith.andi %parallel_loop3A_293, %parallel_loop3A_296 : vector<16xi1>
        %parallel_loop3A_298 = arith.constant 0 : i32
        %parallel_loop3A_299 = vector.broadcast %parallel_loop3A_298 : i32 to vector<16xi32>
        %parallel_loop3A_300 = arith.subi %parallel_loop3A_290, %parallel_loop3A_299 : vector<16xi32>
        %parallel_loop3A_301 = arith.constant 0 : i32
        %parallel_loop3A_302 = arith.constant 50047 : i32
        %parallel_loop3A_303 = vector.broadcast %parallel_loop3A_301 : i32 to vector<16xi32>
        %parallel_loop3A_304 = arith.maxsi %parallel_loop3A_303, %parallel_loop3A_300 : vector<16xi32>
        %parallel_loop3A_305 = vector.broadcast %parallel_loop3A_302 : i32 to vector<16xi32>
        %parallel_loop3A_306 = arith.minsi %parallel_loop3A_305, %parallel_loop3A_304 : vector<16xi32>
        %parallel_loop3A_307 = tpu.vector_load_idx %arg6[%parallel_loop3A_306] : memref<50048xf32, #tpu.memory_space<vmem>>[vector<16xi32>], vector<16xf32>,
        %parallel_loop3A_308 = arith.constant 8192 : i32
        %parallel_loop3A_309 = arith.addi %parallel_loop3A_308, %parallel_loop3A_288 : i32
        %parallel_loop3A_310 = vector.broadcast %parallel_loop3A_309 : i32 to vector<16xi32>
        %parallel_loop3A_311 = arith.addi %parallel_loop3A_310, %iota3A : vector<16xi32>
        tpu.vector_store_idx %arg10[%parallel_loop3A_311], %parallel_loop3A_307 masked %parallel_loop3A_297 : memref<16384xf32, #tpu.memory_space<vmem>>[vector<16xi32>], vector<16xf32>, vector<16xi1>
      } {sc.loop_unroll_factor = 8 : i64, sc.parallel_access}
      %dma_wait3A_217 = arith.constant 0 : i32
      %dma_wait3A_218 = arith.constant 0 : i32
      %dma_wait3A_219 = arith.constant 0 : i32
      %dma_wait3A_220 = tpu.memref_slice %arg7[%dma_wait3A_219] : memref<49952xf32, #tpu.memory_space<vmem>> -> memref<49920xf32, #tpu.memory_space<vmem>>
      %dma_wait3A_221 = arith.constant 0 : i32
      %dma_wait3A_222 = tpu.memref_slice %arg2[%dma_wait3A_217, %dma_wait3A_218, %dma_wait3A_221] : memref<26x32x100000xf32, #tpu.memory_space<hbm>> -> memref<1x1x100000xf32, #tpu.memory_space<hbm>>
      %dma_wait3A_223 = tpu.memref_squeeze %dma_wait3A_222 : memref<1x1x100000xf32, #tpu.memory_space<hbm>> -> memref<100000xf32, #tpu.memory_space<hbm>>
      %dma_wait3A_224 = arith.constant 0 : i32
      %dma_wait3A_225 = tpu.memref_slice %dma_wait3A_223[%dma_wait3A_224] : memref<100000xf32, #tpu.memory_space<hbm>> -> memref<49920xf32, #tpu.memory_space<hbm>>
      %dma_wait3A_226 = arith.constant 0 : i32
      %dma_wait3A_227 = tpu.memref_slice %arg7[%dma_wait3A_226] : memref<49952xf32, #tpu.memory_space<vmem>> -> memref<49920xf32, #tpu.memory_space<vmem>>
      %dma_wait3A_228 = arith.constant 0 : i32
      %dma_wait3A_229 = tpu.memref_slice %arg2[%dma_wait3A_217, %dma_wait3A_218, %dma_wait3A_228] : memref<26x32x100000xf32, #tpu.memory_space<hbm>> -> memref<1x1x100000xf32, #tpu.memory_space<hbm>>
      %dma_wait3A_230 = tpu.memref_squeeze %dma_wait3A_229 : memref<1x1x100000xf32, #tpu.memory_space<hbm>> -> memref<100000xf32, #tpu.memory_space<hbm>>
      %dma_wait3A_231 = arith.constant 0 : i32
      %dma_wait3A_232 = tpu.memref_slice %dma_wait3A_230[%dma_wait3A_231] : memref<100000xf32, #tpu.memory_space<hbm>> -> memref<49920xf32, #tpu.memory_space<hbm>>
      tpu.wait_dma2 semaphore(%arg12 : memref<!tpu.dma_semaphore, #tpu.memory_space<semaphore_mem>>) src(%dma_wait3A_232 : memref<49920xf32, #tpu.memory_space<hbm>>) dst(%dma_wait3A_227 : memref<49920xf32, #tpu.memory_space<vmem>>)
      %dma_wait3A_233 = arith.constant 0 : i32
      %dma_wait3A_234 = arith.constant 0 : i32
      %dma_wait3A_235 = tpu.memref_slice %arg4[%dma_wait3A_233, %dma_wait3A_234] : memref<26x1024xf32, #tpu.memory_space<hbm>> -> memref<1x1024xf32, #tpu.memory_space<hbm>>
      %dma_wait3A_236 = tpu.memref_squeeze %dma_wait3A_235 : memref<1x1024xf32, #tpu.memory_space<hbm>> -> memref<1024xf32, #tpu.memory_space<hbm>>
      %dma_wait3A_237 = arith.constant 0 : i32
      %dma_wait3A_238 = tpu.memref_slice %arg4[%dma_wait3A_233, %dma_wait3A_237] : memref<26x1024xf32, #tpu.memory_space<hbm>> -> memref<1x1024xf32, #tpu.memory_space<hbm>>
      %dma_wait3A_239 = tpu.memref_squeeze %dma_wait3A_238 : memref<1x1024xf32, #tpu.memory_space<hbm>> -> memref<1024xf32, #tpu.memory_space<hbm>>
      tpu.wait_dma2 semaphore(%arg12 : memref<!tpu.dma_semaphore, #tpu.memory_space<semaphore_mem>>) src(%dma_wait3A_239 : memref<1024xf32, #tpu.memory_space<hbm>>) dst(%arg8 : memref<1024xf32, #tpu.memory_space<vmem>>)
      %mul3A_240 = arith.constant 32 : i32
      %mul3A_241 = arith.muli %add3A, %mul3A_240 : i32
      %add3A_242 = arith.constant 0 : i32
      %add3A_243 = arith.addi %mul3A_241, %add3A_242 : i32
      %get3A_244 = arith.index_cast %add3A_243 : i32 to index
      %get3A_245 = tpu.vector_load %arg8[%get3A_244] {strides = array<i32>} : memref<1024xf32, #tpu.memory_space<vmem>>, vector<16xf32>,
      %swap3A_246 = arith.constant 49920 : index
      %swap3A_247 = tpu.vector_load %arg7[%swap3A_246] {strides = array<i32>} : memref<49952xf32, #tpu.memory_space<vmem>>, vector<16xf32>,
      tpu.vector_store %arg7[%swap3A_246], %get3A_245 {strides = array<i32>} : memref<49952xf32, #tpu.memory_space<vmem>>, vector<16xf32>,
      %mul3A_248 = arith.constant 32 : i32
      %mul3A_249 = arith.muli %add3A, %mul3A_248 : i32
      %add3A_250 = arith.constant 16 : i32
      %add3A_251 = arith.addi %mul3A_249, %add3A_250 : i32
      %get3A_252 = arith.index_cast %add3A_251 : i32 to index
      %get3A_253 = tpu.vector_load %arg8[%get3A_252] {strides = array<i32>} : memref<1024xf32, #tpu.memory_space<vmem>>, vector<16xf32>,
      %swap3A_254 = arith.constant 49936 : index
      %swap3A_255 = tpu.vector_load %arg7[%swap3A_254] {strides = array<i32>} : memref<49952xf32, #tpu.memory_space<vmem>>, vector<16xf32>,
      tpu.vector_store %arg7[%swap3A_254], %get3A_253 {strides = array<i32>} : memref<49952xf32, #tpu.memory_space<vmem>>, vector<16xf32>,
      %dma_start3A_256 = arith.constant 0 : i32
      %dma_start3A_257 = tpu.memref_slice %arg2[%min3A_166, %add3A, %dma_start3A_256] : memref<26x32x100000xf32, #tpu.memory_space<hbm>> -> memref<1x1x100000xf32, #tpu.memory_space<hbm>>
      %dma_start3A_258 = tpu.memref_squeeze %dma_start3A_257 : memref<1x1x100000xf32, #tpu.memory_space<hbm>> -> memref<100000xf32, #tpu.memory_space<hbm>>
      %dma_start3A_259 = arith.constant 0 : i32
      %dma_start3A_260 = tpu.memref_slice %dma_start3A_258[%dma_start3A_259] : memref<100000xf32, #tpu.memory_space<hbm>> -> memref<50048xf32, #tpu.memory_space<hbm>>
      %dma_start3A_261 = arith.constant 0 : i32
      %dma_start3A_262 = tpu.memref_slice %arg2[%min3A_166, %add3A, %dma_start3A_261] : memref<26x32x100000xf32, #tpu.memory_space<hbm>> -> memref<1x1x100000xf32, #tpu.memory_space<hbm>>
      %dma_start3A_263 = tpu.memref_squeeze %dma_start3A_262 : memref<1x1x100000xf32, #tpu.memory_space<hbm>> -> memref<100000xf32, #tpu.memory_space<hbm>>
      %dma_start3A_264 = arith.constant 0 : i32
      %dma_start3A_265 = tpu.memref_slice %dma_start3A_263[%dma_start3A_264] : memref<100000xf32, #tpu.memory_space<hbm>> -> memref<50048xf32, #tpu.memory_space<hbm>>
      tpu.enqueue_dma source(%dma_start3A_265 : memref<50048xf32, #tpu.memory_space<hbm>>) target(%arg6 : memref<50048xf32, #tpu.memory_space<vmem>>) target_semaphore(%arg12 : memref<!tpu.dma_semaphore, #tpu.memory_space<semaphore_mem>>)
      %run_scoped3A_266 = arith.constant 1 : i32
      "tpu.region"() ({
        %run_scoped3A_286 = tpu.sem_alloc : memref<!tpu.dma_semaphore, #tpu.memory_space<semaphore_mem>>
        %dma_start3A_287 = arith.constant 0 : i32
        %dma_start3A_288 = tpu.memref_slice %arg11[%run_scoped3A_266, %dma_start3A_287] : memref<2x16384xi32, #tpu.memory_space<vmem_shared>> -> memref<1x8192xi32, #tpu.memory_space<vmem_shared>>
        %dma_start3A_289 = tpu.memref_squeeze %dma_start3A_288 : memref<1x8192xi32, #tpu.memory_space<vmem_shared>> -> memref<8192xi32, #tpu.memory_space<vmem_shared>>
        %dma_start3A_290 = arith.constant 0 : i32
        %dma_start3A_291 = tpu.memref_slice %arg11[%run_scoped3A_266, %dma_start3A_290] : memref<2x16384xi32, #tpu.memory_space<vmem_shared>> -> memref<1x8192xi32, #tpu.memory_space<vmem_shared>>
        %dma_start3A_292 = tpu.memref_squeeze %dma_start3A_291 : memref<1x8192xi32, #tpu.memory_space<vmem_shared>> -> memref<8192xi32, #tpu.memory_space<vmem_shared>>
        tpu.enqueue_dma source(%dma_start3A_292 : memref<8192xi32, #tpu.memory_space<vmem_shared>>) target(%arg9 : memref<8192xi32, #tpu.memory_space<vmem>>) target_semaphore(%run_scoped3A_286 : memref<!tpu.dma_semaphore, #tpu.memory_space<semaphore_mem>>)
        %dma_wait3A_293 = arith.constant 0 : i32
        %dma_wait3A_294 = tpu.memref_slice %arg11[%run_scoped3A_266, %dma_wait3A_293] : memref<2x16384xi32, #tpu.memory_space<vmem_shared>> -> memref<1x8192xi32, #tpu.memory_space<vmem_shared>>
        %dma_wait3A_295 = tpu.memref_squeeze %dma_wait3A_294 : memref<1x8192xi32, #tpu.memory_space<vmem_shared>> -> memref<8192xi32, #tpu.memory_space<vmem_shared>>
        %dma_wait3A_296 = arith.constant 0 : i32
        %dma_wait3A_297 = tpu.memref_slice %arg11[%run_scoped3A_266, %dma_wait3A_296] : memref<2x16384xi32, #tpu.memory_space<vmem_shared>> -> memref<1x8192xi32, #tpu.memory_space<vmem_shared>>
        %dma_wait3A_298 = tpu.memref_squeeze %dma_wait3A_297 : memref<1x8192xi32, #tpu.memory_space<vmem_shared>> -> memref<8192xi32, #tpu.memory_space<vmem_shared>>
        tpu.wait_dma2 semaphore(%run_scoped3A_286 : memref<!tpu.dma_semaphore, #tpu.memory_space<semaphore_mem>>) src(%dma_wait3A_298 : memref<8192xi32, #tpu.memory_space<vmem_shared>>) dst(%arg9 : memref<8192xi32, #tpu.memory_space<vmem>>)
        tpu.yield
      }) : () -> ()
      %parallel_loop3A_267 = arith.constant 0 : i32
      %parallel_loop3A_268 = arith.constant 512 : i32
      %parallel_loop3A_269 = arith.constant 1 : i32
      scf.for %parallel_loop3A_286 = %parallel_loop3A_267 to %parallel_loop3A_268 step %parallel_loop3A_269  : i32 {
        %parallel_loop3A_287 = arith.constant 16 : i32
        %parallel_loop3A_288 = arith.muli %parallel_loop3A_286, %parallel_loop3A_287 : i32
        %parallel_loop3A_289 = arith.index_cast %parallel_loop3A_288 : i32 to index
        %parallel_loop3A_290 = tpu.vector_load %arg9[%parallel_loop3A_289] {strides = array<i32>} : memref<8192xi32, #tpu.memory_space<vmem>>, vector<16xi32>,
        %parallel_loop3A_291 = arith.constant 50048 : i32
        %parallel_loop3A_292 = vector.broadcast %parallel_loop3A_291 : i32 to vector<16xi32>
        %parallel_loop3A_293 = arith.cmpi sge, %parallel_loop3A_290, %parallel_loop3A_292 : vector<16xi32>
        %parallel_loop3A_294 = arith.constant 100000 : i32
        %parallel_loop3A_295 = vector.broadcast %parallel_loop3A_294 : i32 to vector<16xi32>
        %parallel_loop3A_296 = arith.cmpi slt, %parallel_loop3A_290, %parallel_loop3A_295 : vector<16xi32>
        %parallel_loop3A_297 = arith.andi %parallel_loop3A_293, %parallel_loop3A_296 : vector<16xi1>
        %parallel_loop3A_298 = arith.constant 50048 : i32
        %parallel_loop3A_299 = vector.broadcast %parallel_loop3A_298 : i32 to vector<16xi32>
        %parallel_loop3A_300 = arith.subi %parallel_loop3A_290, %parallel_loop3A_299 : vector<16xi32>
        %parallel_loop3A_301 = arith.constant 0 : i32
        %parallel_loop3A_302 = arith.constant 49951 : i32
        %parallel_loop3A_303 = vector.broadcast %parallel_loop3A_301 : i32 to vector<16xi32>
        %parallel_loop3A_304 = arith.maxsi %parallel_loop3A_303, %parallel_loop3A_300 : vector<16xi32>
        %parallel_loop3A_305 = vector.broadcast %parallel_loop3A_302 : i32 to vector<16xi32>
        %parallel_loop3A_306 = arith.minsi %parallel_loop3A_305, %parallel_loop3A_304 : vector<16xi32>
        %parallel_loop3A_307 = tpu.vector_load_idx %arg7[%parallel_loop3A_306] : memref<49952xf32, #tpu.memory_space<vmem>>[vector<16xi32>], vector<16xf32>,
        %parallel_loop3A_308 = arith.constant 0 : i32
        %parallel_loop3A_309 = arith.addi %parallel_loop3A_308, %parallel_loop3A_288 : i32
        %parallel_loop3A_310 = vector.broadcast %parallel_loop3A_309 : i32 to vector<16xi32>
        %parallel_loop3A_311 = arith.addi %parallel_loop3A_310, %iota3A : vector<16xi32>
        tpu.vector_store_idx %arg10[%parallel_loop3A_311], %parallel_loop3A_307 masked %parallel_loop3A_297 : memref<16384xf32, #tpu.memory_space<vmem>>[vector<16xi32>], vector<16xf32>, vector<16xi1>
      } {sc.loop_unroll_factor = 8 : i64, sc.parallel_access}
      %run_scoped3A_270 = arith.constant 1 : i32
      "tpu.region"() ({
        %run_scoped3A_286 = tpu.sem_alloc : memref<!tpu.dma_semaphore, #tpu.memory_space<semaphore_mem>>
        %dma_start3A_287 = arith.constant 8192 : i32
        %dma_start3A_288 = tpu.memref_slice %arg11[%run_scoped3A_270, %dma_start3A_287] : memref<2x16384xi32, #tpu.memory_space<vmem_shared>> -> memref<1x8192xi32, #tpu.memory_space<vmem_shared>>
        %dma_start3A_289 = tpu.memref_squeeze %dma_start3A_288 : memref<1x8192xi32, #tpu.memory_space<vmem_shared>> -> memref<8192xi32, #tpu.memory_space<vmem_shared>>
        %dma_start3A_290 = arith.constant 8192 : i32
        %dma_start3A_291 = tpu.memref_slice %arg11[%run_scoped3A_270, %dma_start3A_290] : memref<2x16384xi32, #tpu.memory_space<vmem_shared>> -> memref<1x8192xi32, #tpu.memory_space<vmem_shared>>
        %dma_start3A_292 = tpu.memref_squeeze %dma_start3A_291 : memref<1x8192xi32, #tpu.memory_space<vmem_shared>> -> memref<8192xi32, #tpu.memory_space<vmem_shared>>
        tpu.enqueue_dma source(%dma_start3A_292 : memref<8192xi32, #tpu.memory_space<vmem_shared>>) target(%arg9 : memref<8192xi32, #tpu.memory_space<vmem>>) target_semaphore(%run_scoped3A_286 : memref<!tpu.dma_semaphore, #tpu.memory_space<semaphore_mem>>)
        %dma_wait3A_293 = arith.constant 8192 : i32
        %dma_wait3A_294 = tpu.memref_slice %arg11[%run_scoped3A_270, %dma_wait3A_293] : memref<2x16384xi32, #tpu.memory_space<vmem_shared>> -> memref<1x8192xi32, #tpu.memory_space<vmem_shared>>
        %dma_wait3A_295 = tpu.memref_squeeze %dma_wait3A_294 : memref<1x8192xi32, #tpu.memory_space<vmem_shared>> -> memref<8192xi32, #tpu.memory_space<vmem_shared>>
        %dma_wait3A_296 = arith.constant 8192 : i32
        %dma_wait3A_297 = tpu.memref_slice %arg11[%run_scoped3A_270, %dma_wait3A_296] : memref<2x16384xi32, #tpu.memory_space<vmem_shared>> -> memref<1x8192xi32, #tpu.memory_space<vmem_shared>>
        %dma_wait3A_298 = tpu.memref_squeeze %dma_wait3A_297 : memref<1x8192xi32, #tpu.memory_space<vmem_shared>> -> memref<8192xi32, #tpu.memory_space<vmem_shared>>
        tpu.wait_dma2 semaphore(%run_scoped3A_286 : memref<!tpu.dma_semaphore, #tpu.memory_space<semaphore_mem>>) src(%dma_wait3A_298 : memref<8192xi32, #tpu.memory_space<vmem_shared>>) dst(%arg9 : memref<8192xi32, #tpu.memory_space<vmem>>)
        tpu.yield
      }) : () -> ()
      %parallel_loop3A_271 = arith.constant 0 : i32
      %parallel_loop3A_272 = arith.constant 512 : i32
      %parallel_loop3A_273 = arith.constant 1 : i32
      scf.for %parallel_loop3A_286 = %parallel_loop3A_271 to %parallel_loop3A_272 step %parallel_loop3A_273  : i32 {
        %parallel_loop3A_287 = arith.constant 16 : i32
        %parallel_loop3A_288 = arith.muli %parallel_loop3A_286, %parallel_loop3A_287 : i32
        %parallel_loop3A_289 = arith.index_cast %parallel_loop3A_288 : i32 to index
        %parallel_loop3A_290 = tpu.vector_load %arg9[%parallel_loop3A_289] {strides = array<i32>} : memref<8192xi32, #tpu.memory_space<vmem>>, vector<16xi32>,
        %parallel_loop3A_291 = arith.constant 50048 : i32
        %parallel_loop3A_292 = vector.broadcast %parallel_loop3A_291 : i32 to vector<16xi32>
        %parallel_loop3A_293 = arith.cmpi sge, %parallel_loop3A_290, %parallel_loop3A_292 : vector<16xi32>
        %parallel_loop3A_294 = arith.constant 100000 : i32
        %parallel_loop3A_295 = vector.broadcast %parallel_loop3A_294 : i32 to vector<16xi32>
        %parallel_loop3A_296 = arith.cmpi slt, %parallel_loop3A_290, %parallel_loop3A_295 : vector<16xi32>
        %parallel_loop3A_297 = arith.andi %parallel_loop3A_293, %parallel_loop3A_296 : vector<16xi1>
        %parallel_loop3A_298 = arith.constant 50048 : i32
        %parallel_loop3A_299 = vector.broadcast %parallel_loop3A_298 : i32 to vector<16xi32>
        %parallel_loop3A_300 = arith.subi %parallel_loop3A_290, %parallel_loop3A_299 : vector<16xi32>
        %parallel_loop3A_301 = arith.constant 0 : i32
        %parallel_loop3A_302 = arith.constant 49951 : i32
        %parallel_loop3A_303 = vector.broadcast %parallel_loop3A_301 : i32 to vector<16xi32>
        %parallel_loop3A_304 = arith.maxsi %parallel_loop3A_303, %parallel_loop3A_300 : vector<16xi32>
        %parallel_loop3A_305 = vector.broadcast %parallel_loop3A_302 : i32 to vector<16xi32>
        %parallel_loop3A_306 = arith.minsi %parallel_loop3A_305, %parallel_loop3A_304 : vector<16xi32>
        %parallel_loop3A_307 = tpu.vector_load_idx %arg7[%parallel_loop3A_306] : memref<49952xf32, #tpu.memory_space<vmem>>[vector<16xi32>], vector<16xf32>,
        %parallel_loop3A_308 = arith.constant 8192 : i32
        %parallel_loop3A_309 = arith.addi %parallel_loop3A_308, %parallel_loop3A_288 : i32
        %parallel_loop3A_310 = vector.broadcast %parallel_loop3A_309 : i32 to vector<16xi32>
        %parallel_loop3A_311 = arith.addi %parallel_loop3A_310, %iota3A : vector<16xi32>
        tpu.vector_store_idx %arg10[%parallel_loop3A_311], %parallel_loop3A_307 masked %parallel_loop3A_297 : memref<16384xf32, #tpu.memory_space<vmem>>[vector<16xi32>], vector<16xf32>, vector<16xi1>
      } {sc.loop_unroll_factor = 8 : i64, sc.parallel_access}
      %dma_start3A_274 = arith.constant 0 : i32
      %dma_start3A_275 = tpu.memref_slice %arg5[%add3A_162, %add3A, %dma_start3A_274] : memref<26x32x16384xf32, #tpu.memory_space<hbm>> -> memref<1x1x16384xf32, #tpu.memory_space<hbm>>
      %dma_start3A_276 = tpu.memref_squeeze %dma_start3A_275 : memref<1x1x16384xf32, #tpu.memory_space<hbm>> -> memref<16384xf32, #tpu.memory_space<hbm>>
      %dma_start3A_277 = arith.constant 0 : i32
      %dma_start3A_278 = tpu.memref_slice %arg5[%add3A_162, %add3A, %dma_start3A_277] : memref<26x32x16384xf32, #tpu.memory_space<hbm>> -> memref<1x1x16384xf32, #tpu.memory_space<hbm>>
      %dma_start3A_279 = tpu.memref_squeeze %dma_start3A_278 : memref<1x1x16384xf32, #tpu.memory_space<hbm>> -> memref<16384xf32, #tpu.memory_space<hbm>>
      tpu.enqueue_dma source(%arg10 : memref<16384xf32, #tpu.memory_space<vmem>>) target(%dma_start3A_279 : memref<16384xf32, #tpu.memory_space<hbm>>) target_semaphore(%arg14 : memref<!tpu.dma_semaphore, #tpu.memory_space<semaphore_mem>>)
      %eq3A_280 = arith.constant 0 : i32
      %eq3A_281 = arith.cmpi eq, %arg1, %eq3A_280 : i32
      %convert_element_type3A_282 = arith.extui %eq3A_281 : i1 to i32
      %cond3A_283 = arith.constant 0 : i32
      %cond3A_284 = arith.cmpi ne, %convert_element_type3A_282, %cond3A_283 : i32
      scf.if %cond3A_284 {
        %dma_wait3A_286 = arith.constant 0 : i32
        %dma_wait3A_287 = arith.constant 0 : i32
        %dma_wait3A_288 = arith.constant 0 : i32
        %dma_wait3A_289 = tpu.memref_slice %arg11[%dma_wait3A_287, %dma_wait3A_288] : memref<2x16384xi32, #tpu.memory_space<vmem_shared>> -> memref<1x16384xi32, #tpu.memory_space<vmem_shared>>
        %dma_wait3A_290 = tpu.memref_squeeze %dma_wait3A_289 : memref<1x16384xi32, #tpu.memory_space<vmem_shared>> -> memref<16384xi32, #tpu.memory_space<vmem_shared>>
        %dma_wait3A_291 = arith.constant 0 : i32
        %dma_wait3A_292 = tpu.memref_slice %arg3[%dma_wait3A_286, %dma_wait3A_291] : memref<26x16384xi32, #tpu.memory_space<hbm>> -> memref<1x16384xi32, #tpu.memory_space<hbm>>
        %dma_wait3A_293 = tpu.memref_squeeze %dma_wait3A_292 : memref<1x16384xi32, #tpu.memory_space<hbm>> -> memref<16384xi32, #tpu.memory_space<hbm>>
        tpu.wait_dma2 semaphore(%arg13 : memref<!tpu.dma_semaphore, #tpu.memory_space<semaphore_mem>>) src(%dma_wait3A_293 : memref<16384xi32, #tpu.memory_space<hbm>>) dst(%dma_wait3A_290 : memref<16384xi32, #tpu.memory_space<vmem_shared>>)
      } else {
      }
      %barrier3A_285 = arith.constant 0 : index
      tpu.barrier barrier_id(%barrier3A_285)
    }
    %scan3A_17 = arith.constant 13 : i32
    %dma_wait3A = arith.constant 0 : i32
    %dma_wait3A_18 = arith.constant 0 : i32
    %dma_wait3A_19 = arith.constant 0 : i32
    %dma_wait3A_20 = tpu.memref_slice %arg2[%dma_wait3A, %dma_wait3A_18, %dma_wait3A_19] : memref<26x32x100000xf32, #tpu.memory_space<hbm>> -> memref<1x1x100000xf32, #tpu.memory_space<hbm>>
    %dma_wait3A_21 = tpu.memref_squeeze %dma_wait3A_20 : memref<1x1x100000xf32, #tpu.memory_space<hbm>> -> memref<100000xf32, #tpu.memory_space<hbm>>
    %dma_wait3A_22 = arith.constant 0 : i32
    %dma_wait3A_23 = tpu.memref_slice %dma_wait3A_21[%dma_wait3A_22] : memref<100000xf32, #tpu.memory_space<hbm>> -> memref<50048xf32, #tpu.memory_space<hbm>>
    %dma_wait3A_24 = arith.constant 0 : i32
    %dma_wait3A_25 = tpu.memref_slice %arg2[%dma_wait3A, %dma_wait3A_18, %dma_wait3A_24] : memref<26x32x100000xf32, #tpu.memory_space<hbm>> -> memref<1x1x100000xf32, #tpu.memory_space<hbm>>
    %dma_wait3A_26 = tpu.memref_squeeze %dma_wait3A_25 : memref<1x1x100000xf32, #tpu.memory_space<hbm>> -> memref<100000xf32, #tpu.memory_space<hbm>>
    %dma_wait3A_27 = arith.constant 0 : i32
    %dma_wait3A_28 = tpu.memref_slice %dma_wait3A_26[%dma_wait3A_27] : memref<100000xf32, #tpu.memory_space<hbm>> -> memref<50048xf32, #tpu.memory_space<hbm>>
    tpu.wait_dma2 semaphore(%arg12 : memref<!tpu.dma_semaphore, #tpu.memory_space<semaphore_mem>>) src(%dma_wait3A_28 : memref<50048xf32, #tpu.memory_space<hbm>>) dst(%arg6 : memref<50048xf32, #tpu.memory_space<vmem>>)
    %dma_wait3A_29 = arith.constant 0 : i32
    %dma_wait3A_30 = arith.constant 0 : i32
    %dma_wait3A_31 = arith.constant 0 : i32
    %dma_wait3A_32 = tpu.memref_slice %arg5[%dma_wait3A_29, %dma_wait3A_30, %dma_wait3A_31] : memref<26x32x16384xf32, #tpu.memory_space<hbm>> -> memref<1x1x16384xf32, #tpu.memory_space<hbm>>
    %dma_wait3A_33 = tpu.memref_squeeze %dma_wait3A_32 : memref<1x1x16384xf32, #tpu.memory_space<hbm>> -> memref<16384xf32, #tpu.memory_space<hbm>>
    %dma_wait3A_34 = arith.constant 0 : i32
    %dma_wait3A_35 = tpu.memref_slice %arg5[%dma_wait3A_29, %dma_wait3A_30, %dma_wait3A_34] : memref<26x32x16384xf32, #tpu.memory_space<hbm>> -> memref<1x1x16384xf32, #tpu.memory_space<hbm>>
    %dma_wait3A_36 = tpu.memref_squeeze %dma_wait3A_35 : memref<1x1x16384xf32, #tpu.memory_space<hbm>> -> memref<16384xf32, #tpu.memory_space<hbm>>
    tpu.wait_dma2 semaphore(%arg14 : memref<!tpu.dma_semaphore, #tpu.memory_space<semaphore_mem>>) src(%arg10 : memref<16384xf32, #tpu.memory_space<vmem>>) dst(%dma_wait3A_36 : memref<16384xf32, #tpu.memory_space<hbm>>)
    return
  }
}

</mosaic_0001>

<sc_bundles>
// kernel: kernel.3.cloned.1.call-start
scs
__scs_entry_jumppad:
0x0: {  	(pc) =	sbr.rel $0x88, $3  }
0x1: {  	(tag) =	ssettag $0x0;
	lr =	simm.s32 $0x1  }
0x2: {  	[smem:$0x3F9F] =	sst lr;
	_ =	strace $0xD0000000  }
0x3: {  	_ = 	snop  }
0x4: {  	_ = 	snop  }
0x5: {  	_ = 	snop  }
0x6: {  	_ = 	snop  }
0x7: {  	_ = 	snop  }
__scs_overlays_trampoline_lowered:
0x8: {  	[smem:$0x3FAE] =	sst s0  }
0x9: {  	[smem:$0x3FAF] =	sst s1  }
0xa: {  	[smem:$0x3FB0] =	sst s2  }
0xb: {  	[smem:$0x3FB1] =	sst s3  }
0xc: {  	[smem:$0x3FB2] =	sst s4  }
0xd: {  	[smem:$0x3FB3] =	sst s5  }
0xe: {  	[smem:$0x3FB4] =	sst s6  }
0xf: {  	[smem:$0x3FB5] =	sst s7  }
0x10: {  	[smem:$0x3FB6] =	sst s8  }
0x11: {  	[smem:$0x3FB7] =	sst s9;
	s0 =	simm.s32 @!p0 $0x0  }
0x12: {  	s1 =	sld [smem:$0x3F9D];
	s0 =	simm.s32 @p0 $0x1  }
0x13: {  	[smem:$0x3FB8] =	sst s0;
	s0 =	simm.s32 @!p1 $0x0  }
0x14: {  	s2 =	sld [smem:$0x3F9C];
	s0 =	simm.s32 @p1 $0x1  }
0x15: {  	[smem:$0x3FB9] =	sst s0;
	s0 =	simm.s32 @!p2 $0x0  }
0x16: {  	s3 =	sld [smem:$0x3FDB];
	s0 =	simm.s32 @p2 $0x1  }
0x17: {  	s4 =	simm.s32 $0x1BF5;
	[smem:$0x3FBB] =	sst s0  }
0x18: {  	s0 =	sld [smem:$0x3F9E];
	_ =	swait.ge [sflag:s4], $0x0  }
0x19: {  	s7 =	sld [smem:$0x3F9F]  }
0x1a: {  	s8 =	sadd.s32 $0xFFFFE003, lr  }
0x1b: {  	s9 =	sadd.s32 $0xFFFFFEF7, lr;
	s5 =	simm.s32 $0xFFFFFFFF;
	p2 =	slt.u32 s8, $0xFFFFF086  }
0x1c: {  	p1 =	slt.u32 s9, $0xF7A;
	s5 =	simm.s32 @!p2 $0x0  }
0x1d: {  	s5 =	simm.s32 @p1 $0x1;
	p0 =	seq.s32 s7, s2  }
0x1e: {  	s7 =	smul.u32 @!p0 $0xF7A, s2;
	p2 =	seq.s32 @!p0 s5, $0x0  }
0x1f: {  	s9 =	smul.u32 $0xF7A, s1;
	s8 =	simm.s32 @!p0 $0x1BF5;
	p2 =	por !p2, p0  }
0x20: {  	[sflag:s8] =	ssyncset.s32 @!p0 $0xFFFFF086;
	s6 =	sadd.s32 @!p0 s3, s7;
	s7 =	simm.s32 @!p0 $0x108  }
0x21: {  	s3 =	sadd.s32 s3, s9;
	s6 =	sadd.s32 @!p0 $0x88, s6;
	s7 =	simm.s32 @p2 $0x1082  }
0x22: {  	[simem:s7], [sflag:s8] =	dma.local @!p0 [hbm:s6], $0xF7A  }
0x23: {  	s9 =	sor.u32 $0xD0000000, s2;
	s6 =	simm.s32 $0x108;
	_ =	swait.ge @!p0 [sflag:s8], $0x0  }
0x24: {  	s3 =	sadd.s32 $0x88, s3;
	s6 =	simm.s32 @!p1 $0x1082;
	[sflag:s4] =	ssyncset.s32 $0xFFFFF086  }
0x25: {  	[simem:s6], [sflag:s4] =	dma.local [hbm:s3], $0xF7A  }
0x26: {  	[smem:$0x3F9F] =	sst s1;
	(tag) =	ssettag s2;
	_ =	strace s9  }
0x27: {  	s1 =	sld [smem:$0x3FAF]  }
0x28: {  	s2 =	sld [smem:$0x3FB0]  }
0x29: {  	s4 =	sld [smem:$0x3FB2]  }
0x2a: {  	p0 =	seq.s32 s5, $0x0;
	s5 =	sld [smem:$0x3FB3]  }
0x2b: {  	s6 =	sld [smem:$0x3FB4]  }
0x2c: {  	s7 =	sld [smem:$0x3FB5]  }
0x2d: {  	s3 =	simm.s32 $0x108;
	s8 =	sld [smem:$0x3FB6]  }
0x2e: {  	s3 =	simm.s32 @!p0 $0x1082;
	s9 =	sld [smem:$0x3FB7]  }
0x2f: {  	lr =	sadd.s32 s0, s3;
	s0 =	sld [smem:$0x3FAE]  }
0x30: {  	s3 =	sld [smem:$0x3FB1]  }
0x31: {  	[smem:$0x3FBA] =	sst s10  }
0x32: {  	s10 =	sld [smem:$0x3FB8];
	_ =	sdelay $0x3  }
0x33: {  	p0 =	seq.s32 s10, $0x1;
	s10 =	sld [smem:$0x3FBA];
	_ =	sdelay $0x3  }
0x34: {  	[smem:$0x3FBA] =	sst s10  }
0x35: {  	s10 =	sld [smem:$0x3FB9];
	_ =	sdelay $0x3  }
0x36: {  	p1 =	seq.s32 s10, $0x1;
	s10 =	sld [smem:$0x3FBA];
	_ =	sdelay $0x3  }
0x37: {  	[smem:$0x3FBA] =	sst s10  }
0x38: {  	s10 =	sld [smem:$0x3FBB]  }
0x39: {  	_ = 	snop;
	(pc) =	sbr.ind lr, $3  }
0x3a: {  	_ = 	snop  }
0x3b: {  	_ = 	snop  }
0x3c: {  	p2 =	seq.s32 s10, $0x1;
	s10 =	sld [smem:$0x3FBA]  }
0x3d: {  	_ =	shalt  }
0x3e: {  	_ =	shalt  }
0x3f: {  	_ =	shalt  }
0x40: {  	_ =	shalt  }
0x41: {  	_ =	shalt  }
0x42: {  	_ =	shalt  }
0x43: {  	_ =	shalt  }
0x44: {  	_ =	shalt  }
0x45: {  	_ =	shalt  }
0x46: {  	_ =	shalt  }
0x47: {  	_ =	shalt  }
0x48: {  	_ =	shalt  }
0x49: {  	_ =	shalt  }
0x4a: {  	_ =	shalt  }
0x4b: {  	_ =	shalt  }
0x4c: {  	_ =	shalt  }
0x4d: {  	_ =	shalt  }
0x4e: {  	_ =	shalt  }
0x4f: {  	_ =	shalt  }
0x50: {  	_ =	shalt  }
0x51: {  	_ =	shalt  }
0x52: {  	_ =	shalt  }
0x53: {  	_ =	shalt  }
0x54: {  	_ =	shalt  }
0x55: {  	_ =	shalt  }
0x56: {  	_ =	shalt  }
0x57: {  	_ =	shalt  }
0x58: {  	_ =	shalt  }
0x59: {  	_ =	shalt  }
0x5a: {  	_ =	shalt  }
0x5b: {  	_ =	shalt  }
0x5c: {  	_ =	shalt  }
0x5d: {  	_ =	shalt  }
0x5e: {  	_ =	shalt  }
0x5f: {  	_ =	shalt  }
0x60: {  	_ =	shalt  }
0x61: {  	_ =	shalt  }
0x62: {  	_ =	shalt  }
0x63: {  	_ =	shalt  }
0x64: {  	_ =	shalt  }
0x65: {  	_ =	shalt  }
0x66: {  	_ =	shalt  }
0x67: {  	_ =	shalt  }
0x68: {  	_ =	shalt  }
0x69: {  	_ =	shalt  }
0x6a: {  	_ =	shalt  }
0x6b: {  	_ =	shalt  }
0x6c: {  	_ =	shalt  }
0x6d: {  	_ =	shalt  }
0x6e: {  	_ =	shalt  }
0x6f: {  	_ =	shalt  }
0x70: {  	_ =	shalt  }
0x71: {  	_ =	shalt  }
0x72: {  	_ =	shalt  }
0x73: {  	_ =	shalt  }
0x74: {  	_ =	shalt  }
0x75: {  	_ =	shalt  }
0x76: {  	_ =	shalt  }
0x77: {  	_ =	shalt  }
0x78: {  	_ =	shalt  }
0x79: {  	_ =	shalt  }
0x7a: {  	_ =	shalt  }
0x7b: {  	_ =	shalt  }
0x7c: {  	_ =	shalt  }
0x7d: {  	_ =	shalt  }
0x7e: {  	_ =	shalt  }
0x7f: {  	_ =	shalt  }
0x80: {  	_ =	shalt  }
0x81: {  	_ =	shalt  }
0x82: {  	_ =	shalt  }
0x83: {  	_ =	shalt  }
0x84: {  	_ =	shalt  }
0x85: {  	_ =	shalt  }
0x86: {  	_ =	shalt  }
0x87: {  	_ =	shalt  }
.Lfunc_end0:
.L_simem_size_0:
called_computation_lowered:
.L_overlay_start_0:
0x88: {  	s2 =	sld [smem:$0x3FD9]  }
0x89: {  	s3 =	sld [smem:$0x3FFE];
	_ =	sdelay $0x1  }
0x8a: {  	s1 =	srdreg.scid  }
0x8b: {  	s0 =	sand.u32 $0x1, s1  }
0x8c: {  	s17 =	sshll.u32 s0, $0xA;
	s2 =	sadd.s32 s3, s2  }
0x8d: {  	s2 =	sadd.s32 s2, s17  }
0x8e: {  	[smem:$0x3FC6] =	sst s2  }
0x8f: {  	_ = 	snop  }
0x90: {  	s2 =	sld [smem:$0x3FC9]  }
0x91: {  	s18 =	sld [smem:$0x3FC8]  }
0x92: {  	s4 =	sld [smem:$0x3FD0];
	(tm) =	ssettm $0x1  }
0x93: {  	s5 =	sld [smem:$0x3FFB];
	_ =	sdelay $0x3  }
0x94: {  	_ =	strace s5  }
0x95: {  	s5 =	sld [smem:$0x3FFC];
	_ =	sdelay $0x3  }
0x96: {  	_ =	strace s5  }
0x97: {  	s5 =	sld [smem:$0x3FFD];
	_ =	sdelay $0x3  }
0x98: {  	_ =	strace s5  }
0x99: {  	_ =	strace $0x8FFFFFFF  }
0x9a: {  	s19 =	sld [smem:$0x3FDB];
	_ =	sdelay $0x1  }
0x9b: {  	s6 =	simm.s32 $_scs_section_size  }
0x9c: {  	s7 =	simm.s32 $_size__tile_overlayer_lowered;
	s8 =	simm.s32 $_tile_overlayer_lowered  }
0x9d: {  	s22 =	simm.s32 $0x1BFF;
	s21 =	sshll.u32 s8, $0x1;
	s5 =	sadd.s32 s6, s19  }
0x9e: {  	s9 =	simm.s32 $0x0;
	s20 =	sshll.u32 s7, $0x1;
	s7 =	sadd.s32 s21, s5  }
0x9f: {  	[timem:s9], [sflag:s22] =	dma.local [hbm:s7], s20  }
0xa0: {  	_ =	swait.ge [sflag:s22], s20  }
0xa1: {  	s6 =	ssub.s32 $0x0, s20;
	[sflag:s22] =	ssyncset.done $0x0  }
0xa2: {  	[sflag:s22] =	ssyncadd.s32 s6;
	_ =	sdelay $0x1  }
0xa3: {  	s23 =	simm.s32 $0x1B8B  }
0xa4: {  	_ =	swait.ge [sflag:s23], $0x1  }
0xa5: {  	[sflag:s23] =	ssyncset.done $0x0  }
0xa6: {  	s25 =	simm.s32 $0x1B8E;
	s24 =	sld [smem:$0x3FFE];
	[sflag:s23] =	ssyncadd.s32 $0xFFFFFFFF  }
0xa7: {  	s26 =	simm.s32 $execute0_lowered;
	[smem:$0x3FD2] =	sst s25  }
0xa8: {  	s7 =	sshll.u32 s26, $0x1;
	_ =	strace $0x80000046;
	[dreg:$0x1] =	wrdreg $0xFFFFFFFF  }
0xa9: {  	s28 =	simm.s32 $_size_execute0_lowered;
	s5 =	sadd.s32 s5, s7;
	[dreg:$0x0] =	wrdreg $0x0  }
0xaa: {  	s7 =	sshll.u32 s28, $0x1;
	[dreg:$0x2] =	wrdreg s5  }
0xab: {  	[dreg:$0x3] =	wrdreg s7  }
0xac: {  	[dreg:$0x4] =	wrdreg $0xC0  }
0xad: {  	_ =	task [dreg:s9], $0x5FFFF  }
0xae: {  	[dreg:$0x1] =	wrdreg $0xFFFFFFFF  }
0xaf: {  	[dreg:$0x0] =	wrdreg $0x60  }
0xb0: {  	[dreg:$0x2] =	wrdreg s18  }
0xb1: {  	[dreg:$0x3] =	wrdreg s2  }
0xb2: {  	[dreg:$0x4] =	wrdreg s24  }
0xb3: {  	[dreg:$0x5] =	wrdreg s4  }
0xb4: {  	[dreg:$0x6] =	wrdreg $0x1EB000  }
0xb5: {  	[dreg:$0x7] =	wrdreg $0x9  }
0xb6: {  	_ =	task.clear_ibuf [dreg:s9], $0x8FFFF;
	_ =	strace $0x90000046  }
0xb7: {  	s29 =	simm.s32 $0x9;
	_ =	strace $0x80000048  }
0xb8: {  	_ =	swait.ge [sflag:s29], $0x1  }
0xb9: {  	[sflag:s29] =	ssyncadd.s32 $0xFFFFFFFF  }
0xba: {  	_ =	strace $0x90000048  }
0xbb: {  	_ =	sfence  }
0xbc: {  	s30 =	sld [smem:$0x0];
	_ =	sdelay $0x2  }
0xbd: {  	s31 =	sshll.u32 s1, $0xD;
	s1 =	sshrl.u32 s1, $0x2  }
0xbe: {  	s3 =	sand.u32 $0x4000, s31;
	s1 =	sadd.s32 s1, s30  }
0xbf: {  	s0 =	sor.u32 s3, s0;
	s1 =	sshll.u32 s1, $0x11  }
0xc0: {  	s0 =	sor.u32 s1, s0  }
0xc1: {  	s0 =	sadd.s32 $0x8F2B, s0  }
0xc2: {  	[sflag:s0] =	ssyncadd.remote.s32 $0x1  }
0xc3: {  	_ =	sfence.sel $0xFFFF  }
0xc4: {  	[dreg:$0x0] =	wrdreg $0xFFFFFFFF;
	(pc) =	sbr.abs _section_cstart, $3  }
0xc5: {  	[dreg:$0x1] =	wrdreg $0xFFFFFFFF  }
0xc6: {  	_ =	task.clear_ibuf [dreg:s9], $0x2FFFF;
	_ =	strace $0x9FFFFFFF  }
0xc7: {  	(tm) =	ssettm $0x7FFFFFFF  }
tec
execute0_lowered:
.L_overlay_start_1:
0x0: {  	(tag) =	ssettag $0x1  }
0x1: {  	s0 =	rddreg [dreg:$0x0]  }
0x2: {  	s30 =	rddreg [dreg:$0x1]  }
0x3: {  	s1 =	rddreg [dreg:$0x2]  }
0x4: {  	s31 =	rddreg [dreg:$0x3]  }
0x5: {  	s2 =	rddreg [dreg:$0x4]  }
0x6: {  	s5 =	srdreg.scid;
	s8 =	stileid.u32;
	s16 =	simm.s32 $0x80  }
0x7: {  	s17 =	simm.s32 $0x400;
	s19 =	simm.s32 $0x1;
	s20 =	simm.s32 $0xC380  }
0x8: {  	s22 =	simm.s32 $0x100;
	s23 =	simm.s32 $0x18B00;
	s24 =	simm.s32 $0x4  }
0x9: {  	s6 =	sand.u32 $0x1, s5;
	s12 =	sshrl.u32 s8, $0x2;
	s7 =	sshll.u32 s8, $0x8  }
0xa: {  	s5 =	simm.s32 $0x0;
	s1 =	sadd.s32 $0x400, s1;
	p0 =	sne.s32 s8, $0x0  }
0xb: {  	p1 =	seq.s32 s8, $0x0;
	s9 =	sshll.u32 s6, $0x7;
	s10 =	smul.u32 $0xC3800, s12  }
0xc: {  	[smem:$0x7FF] =	sst s5;
	s25 =	ssub.s32 $0x2, s6;
	s14 =	sshll.u32 s12, $0x11  }
0xd: {  	s11 =	sor.u32 s9, s7;
	_ =	strace $0x80000047;
	s26 =	sshrl.u32 s25, $0x1  }
0xe: {  	[dreg:$0x6] =	wrdreg s1;
	s13 =	sand.u32 $0x380, s11;
	s1 =	ssub.s32 s25, s26  }
0xf: {  	s7 =	sadd.s32 $0x80, s2;
	s6 =	sor.u32 s10, s13;
	s28 =	smax.u32 s1, $0x1  }
0x10: {  	s29 =	sor.u32 s13, s14;
	s10 =	sshrl.u32 s6, $0x3;
	[dreg:$0x8] =	wrdreg s28  }
0x11: {  	v0 =	vlaneseq.u32;
	v8 =	vimm.s32 $0x0;
	s26 =	sadd.s32 $0x4000, s2;
	[dreg:$0x9] =	wrdreg s29;
	s0 =	sadd.s32 s0, s10  }
0x12: {  	vm0 =	vcmask $0x300;
	v1 =	vor.u32 $0x10, v0;
	v2 =	vor.u32 $0x20, v0;
	s11 =	sshrl.u32 s11, $0x2;
	[dreg:$0x7] =	wrdreg s0;
	s0 =	sshrl.u32 @!p0 s2, $0x3  }
0x13: {  	v3 =	vor.u32 $0x30, v0;
	v4 =	vor.u32 $0x40, v0;
	v5 =	vor.u32 $0x50, v0;
	s25 =	simm.s32 $0x1AB00;
	[dreg:$0xa] =	wrdreg s0;
	s0 =	sshrl.u32 @!p0 s7, $0x3  }
0x14: {  	v6 =	vor.u32 $0x60, v0;
	v7 =	vor.u32 $0x70, v0;
	v8 =	vsel vm0, $0x7, v8;
	s10 =	sadd.s32 $0x4080, s2;
	s2 =	simm.s32 $0x0;
	[dreg:$0xb] =	wrdreg s0  }
.LBB2_1:
0x15: {  	[dreg:$0xc] =	wrdreg s2;
	s2 =	simm.s32 @!p0 $0x1;
	s3 =	simm.s32 @!p0 $0x20  }
0x16: {  	s4 =	simm.s32 @!p0 $0x80;
	s1 =	simm.s32 @!p0 $0x1C04;
	s0 =	rddreg [dreg:$0xa]  }
0x17: {  	[spmem:s0@s3], [sflag:s1] =	dma.strided @!p0 [hbm:s30@s4], $0x800, s2, $0x10   }
0x18: {  	s1 =	simm.s32 @!p0 $0x4  }
0x19: {  	_ =	swait.ge @!p0 [sflag:s1], $0x800  }
0x1a: {  	[sflag:s1] =	ssyncset.done @!p0 $0x0  }
0x1b: {  	s29 =	rddreg [dreg:$0x7];
	[sflag:s1] =	ssyncadd.s32 @!p0 $0xFFFFF800  }
0x1c: {  	[tilespmem:s5], [sflag:$0x1] =	stream.strided.gather [hbm4b:s29+s16], $0xC380, s17, s16, $0x38;
	[tilespmem:$0x1F300] =	vst v63  }
0x1d: {  	s1 =	simm.s32 $0x0;
	[bflag:$0x0] =	sbarrier.arrive $0xFFFF  }
.LBB2_2:
0x1e: {  	s8 =	sshllo.u32 s1, $0x1;
	s13 =	sshll.u32 @!p0 s1, $0xC;
	s0 =	rddreg [dreg:$0xb]  }
0x1f: {  	s2 =	simm.s32 @!p0 $0x1;
	s13 =	sand.u32 @!p0 $0xC000, s13;
	s15 =	sshll.u32 @!p0 s8, $0x4  }
0x20: {  	s3 =	simm.s32 @!p0 $0x20;
	s15 =	sand.u32 @!p0 $0x70, s15;
	s13 =	sadd.s32 @!p0 s30, s13  }
0x21: {  	s4 =	simm.s32 @!p0 $0x80;
	s13 =	sadd.s32 @!p0 s15, s13;
	s15 =	simm.s32 @!p0 $0x1C02  }
0x22: {  	[spmem:s0@s3], [sflag:s15] =	dma.strided @!p0 [hbm:s13@s4], $0x800, s2, $0x10   }
0x23: {  	_ =	swait.ge [sflag:s19], $0xC380  }
0x24: {  	p2 =	seq.s32 s1, $0x0;
	[sflag:s19] =	ssyncset.done $0x0  }
0x25: {  	s21 =	smul.u32 $0x61C000, s1;
	s15 =	simm.s32 @!p2 $0x3;
	[sflag:s19] =	ssyncadd.s32 $0xFFFF3C80  }
0x26: {  	s14 =	smov.u32 s10;
	_ =	swait.ge @!p2 [sflag:s15], $0x4000  }
0x27: {  	s10 =	smov.u32 s31;
	s13 =	sadd.s32 s6, s21;
	[sflag:s15] =	ssyncset.done @!p2 $0x0  }
0x28: {  	s0 =	sshll.u32 s1, $0x5;
	s13 =	sshrl.u32 s13, $0x3;
	s31 =	rddreg [dreg:$0x0]  }
0x29: {  	s2 =	sshll.u32 s1, $0x8;
	s28 =	sand.u32 $0x60, s0;
	s13 =	sadd.s32 s31, s13  }
0x2a: {  	s3 =	rddreg [dreg:$0x6];
	[sflag:s15] =	ssyncadd.s32 @!p2 $0xFFFFC000;
	s13 =	sadd.s32 $0xC380, s13  }
0x2b: {  	[tilespmem:s20], [sflag:$0x1] =	stream.strided.gather [hbm4b:s13+s16], $0xC300, s17, s16, $0x38;
	[tilespmem:$0x1F300] =	vst v63  }
0x2c: {  	s4 =	sadd.s32 s3, s28;
	s13 =	sand.u32 $0xC00, s2  }
0x2d: {  	s9 =	simm.s32 $0x18700;
	s15 =	sadd.s32 s13, s4  }
0x2e: {  	[tilespmem:s9], [sflag:$0x1] =	stream.strided.gather [hbm4b:s15+s16], $0x400, s17, s16, $0x38;
	[tilespmem:$0x1F300] =	vst v63  }
0x2f: {  	s18 =	rddreg [dreg:$0x4]  }
0x30: {  	[tilespmem:s23], [sflag:$0x4] =	stream.strided.gather [spmem:s18], $0x2000, s22, s16, $0x38;
	[tilespmem:$0x1F300] =	vst v63  }
0x31: {  	_ =	swait.ge [sflag:s24], $0x2000  }
0x32: {  	[sflag:s24] =	ssyncset.done $0x0  }
0x33: {  	s21 =	simm.s32 $0x18B40;
	[sflag:s24] =	ssyncadd.s32 $0xFFFFE000  }
0x34: {  	s28 =	simm.s32 $0x0;
	v9 =	vld [tilespmem:s21+$0x30]  }
0x35: {  	v18 =	vmov s28;
	v10 =	vld [tilespmem:s21+$0xFFFFFFD0]  }
0x36: {  	v18 =	vshrl.u32 v18, $0x7;
	v14 =	vld [tilespmem:s21+$0x10]  }
0x37: {  	v18 =	vshll.u32 v18, $0x7;
	v17 =	vld [tilespmem:s21+$0xFFFFFFC0]  }
0x38: {  	v18 =	vbroadcast v18, $0x0;
	v11 =	vld [tilespmem:s21+$0xFFFFFFE0]  }
0x39: {  	v13 =	vld [tilespmem:s21+$0x0]  }
0x3a: {  	v25 =	vor.u32 v7, v18;
	v30 =	vor.u32 v0, v18;
	v36 =	vor.u32 v1, v18;
	v12 =	vld [tilespmem:s21+$0xFFFFFFF0]  }
0x3b: {  	vm0 =	vgt.s32 v9, $0x0;
	vm1 =	vlt.u32 v10, $0xC380;
	vm2 =	vgt.s32 v10, $0x0  }
0x3c: {  	vm6 =	vlt.u32 v9, $0xC380;
	vm9 =	vlt.u32 v17, $0xC380;
	vm5 =	vlt.u32 v14, $0xC380  }
0x3d: {  	v15 =	vld [tilespmem:s21+$0x20];
	v16 =	vnsel vm0, $0x0, v9;
	v10 =	vnsel vm2, $0x0, v10;
	vm0 =	vgt.s32 v11, $0x0  }
0x3e: {  	vm2 =	vgt.s32 v17, $0x0;
	vm7 =	vmmov vm1;
	vm1 =	vlt.u32 v13, $0xC380  }
0x3f: {  	v16 =	vmin.u32 v16, $0xC37F;
	v19 =	vnsel vm0, $0x0, v11;
	vm0 =	vgt.s32 v12, $0x0  }
0x40: {  	v9 =	vnsel vm2, $0x0, v17;
	v20 =	vnsel vm0, $0x0, v12;
	vm0 =	vgt.s32 v13, $0x0  }
0x41: {  	s31 =	simm.s32 $0x18BC0;
	v24 =	vmin.u32 v10, $0xC37F;
	v21 =	vnsel vm0, $0x0, v13;
	vm0 =	vgt.s32 v14, $0x0  }
0x42: {  	v26 =	vld [tilespmem:s31+$0xFFFFFFC0];
	v17 =	vor.u32 v2, v18;
	v22 =	vnsel vm0, $0x0, v14;
	vm0 =	vgt.s32 v15, $0x0  }
0x43: {  	v10 =	vor.u32 v5, v18;
	v23 =	vnsel vm0, $0x0, v15;
	v29 =	vmin.u32 v22, $0xC37F;
	v22 =	vld [tilespmem:s31+$0xFFFFFFD0]  }
0x44: {  	v27 =	vmin.u32 v9, $0xC37F;
	v9 =	vor.u32 v6, v18;
	v35 =	vmin.u32 v23, $0xC37F;
	v23 =	vld [tilespmem:s31+$0x30]  }
0x45: {  	v14 =	vor.u32 v3, v18;
	vm0 =	vlt.u32 v11, $0xC380;
	v11 =	vor.u32 v4, v18;
	v18 =	vld [tilespmem:s31+$0x20]  }
0x46: {  	vm4 =	vlt.u32 v15, $0xC380;
	vm2 =	vlt.u32 v12, $0xC380;
	vm3 =	vmmov vm1;
	v12 =	vld [tilespmem:s31+$0xFFFFFFE0]  }
0x47: {  	vm1 =	vmmov vm5;
	v19 =	vmin.u32 v19, $0xC37F;
	vm2 =	vmmov vm2;
	v28 =	vld.idx.msk [tilespmem:v16+s5+$0x0], $0xffff  }
0x48: {  	v20 =	vmin.u32 v20, $0xC37F;
	v21 =	vmin.u32 v21, $0xC37F;
	v15 =	vld [tilespmem:s31+$0xFFFFFFF0];
	vm10 =	vgt.s32 v22, $0x0  }
0x49: {  	s28 =	simm.s32 $0x80;
	v13 =	vld [tilespmem:s31+$0x0];
	vm5 =	vlt.u32 v22, $0xC380;
	vm8 =	vgt.s32 v23, $0x0;
	v34 =	vnsel vm10, $0x0, v22  }
0x4a: {  	v16 =	vld [tilespmem:s31+$0x10];
	v22 =	vmov s28;
	vm10 =	vgt.s32 v18, $0x0;
	v31 =	vnsel vm8, $0x0, v23  }
0x4b: {  	v38 =	vld.idx.msk [tilespmem:v27+s5+$0x0], $0xffff;
	vm8 =	vgt.s32 v12, $0x0;
	v22 =	vshrl.u32 v22, $0x7;
	v42 =	vnsel vm10, $0x0, v18  }
0x4c: {  	v40 =	vld.idx.msk [tilespmem:v24+s5+$0x0], $0xffff;
	[tilespmem:v25+s25+$0x0] =	vst.idx.msk vm6, v28;
	vm10 =	vgt.s32 v26, $0x0;
	v25 =	vmin.u32 v34, $0xC37F;
	v31 =	vmin.u32 v31, $0xC37F  }
0x4d: {  	v33 =	vld.idx.msk [tilespmem:v19+s5+$0x0], $0xffff;
	v37 =	vnsel vm8, $0x0, v12;
	vm8 =	vgt.s32 v15, $0x0;
	v22 =	vshll.u32 v22, $0x7  }
0x4e: {  	v32 =	vld.idx.msk [tilespmem:v20+s5+$0x0], $0xffff;
	v20 =	vnsel vm10, $0x0, v26;
	v39 =	vnsel vm8, $0x0, v15;
	vm8 =	vgt.s32 v13, $0x0  }
0x4f: {  	v28 =	vld.idx.msk [tilespmem:v21+s5+$0x0], $0xffff;
	v22 =	vbroadcast v22, $0x0;
	v41 =	vnsel vm8, $0x0, v13;
	vm8 =	vgt.s32 v16, $0x0  }
0x50: {  	[tilespmem:v30+s25+$0x0] =	vst.idx.msk vm9, v38;
	v30 =	vld.idx.msk [tilespmem:v29+s5+$0x0], $0xffff;
	v27 =	vmin.u32 v20, $0xC37F;
	v19 =	vnsel vm8, $0x0, v16;
	vm8 =	vlt.u32 v23, $0xC380  }
0x51: {  	s12 =	smov.u32 s7;
	s7 =	smov.u32 s30;
	v24 =	vmin.u32 v37, $0xC37F;
	v34 =	vor.u32 v7, v22;
	v23 =	vmin.u32 v39, $0xC37F;
	v31 =	vld.idx.msk [tilespmem:v31+s5+$0x0], $0xffff  }
0x52: {  	s29 =	simm.s32 $0x8;
	s30 =	simm.s32 $0x18C40;
	s15 =	sshll.u32 s1, $0x1;
	[tilespmem:v36+s25+$0x0] =	vst.idx.msk vm7, v40;
	v29 =	vld.idx.msk [tilespmem:v35+s5+$0x0], $0xffff;
	v21 =	vmin.u32 v41, $0xC37F;
	v20 =	vmin.u32 v19, $0xC37F;
	v19 =	vmin.u32 v42, $0xC37F  }
.LBB2_3:
0x53: {  	vm7 =	vlt.u32 v26, $0xC380;
	vm10 =	vlt.u32 v15, $0xC380  }
0x54: {  	v35 =	vld [tilespmem:s30+$0x30];
	s29 =	sadd.s32 $0x8, s29;
	[tilespmem:v17+s25+$0x0] =	vst.idx.msk vm0, v33;
	vm0 =	vlt.u32 v12, $0xC380;
	vm9 =	vmmov vm4;
	vm6 =	vmmov vm5  }
0x55: {  	vm5 =	vlt.u32 v13, $0xC380;
	vm11 =	vlt.u32 v16, $0xC380;
	vm4 =	vlt.u32 v18, $0xC380;
	v33 =	vld [tilespmem:s30+$0xFFFFFFD0];
	p2 =	slt.u32 s29, $0x1F8;
	[tilespmem:v14+s25+$0x0] =	vst.idx.msk vm2, v32  }
0x56: {  	v36 =	vor.u32 v0, v22;
	v37 =	vor.u32 v1, v22;
	vm2 =	vmmov vm10;
	v12 =	vld [tilespmem:s30+$0xFFFFFFE0];
	[tilespmem:v34+s25+$0x0] =	vst.idx.msk vm8, v31  }
0x57: {  	v17 =	vor.u32 v2, v22;
	v16 =	vor.u32 v4, v22;
	v14 =	vor.u32 v3, v22;
	v15 =	vld [tilespmem:s30+$0xFFFFFFF0]  }
0x58: {  	v18 =	vor.u32 v5, v22;
	v22 =	vor.u32 v6, v22;
	v13 =	vld [tilespmem:s30+$0x0];
	[tilespmem:v11+s25+$0x0] =	vst.idx.msk vm3, v28;
	v11 =	vmov v16  }
0x59: {  	vm3 =	vmmov vm5;
	v16 =	vld [tilespmem:s30+$0x10];
	vm8 =	vgt.s32 v35, $0x0;
	[tilespmem:v10+s25+$0x0] =	vst.idx.msk vm1, v30;
	v10 =	vmovc v18;
	vm1 =	vmmov vm11  }
0x5a: {  	vm5 =	vlt.u32 v33, $0xC380;
	vm10 =	vgt.s32 v33, $0x0;
	v18 =	vld [tilespmem:s30+$0x20];
	v28 =	vnsel vm8, $0x0, v35;
	[tilespmem:v9+s25+$0x0] =	vst.idx.msk vm9, v29;
	v9 =	vmovc v22  }
0x5b: {  	s28 =	sadd.s32 $0x80, s28;
	v26 =	vld [tilespmem:s30+$0xFFFFFFC0];
	v29 =	vnsel vm10, $0x0, v33;
	vm8 =	vgt.s32 v12, $0x0;
	v28 =	vmin.u32 v28, $0xC37F  }
0x5c: {  	v22 =	vmov s28;
	v30 =	vnsel vm8, $0x0, v12;
	vm8 =	vgt.s32 v15, $0x0;
	v38 =	vld.idx.msk [tilespmem:v27+s5+$0x0], $0xffff  }
0x5d: {  	v22 =	vshrl.u32 v22, $0x7;
	v39 =	vnsel vm8, $0x0, v15;
	vm8 =	vgt.s32 v13, $0x0;
	v40 =	vld.idx.msk [tilespmem:v25+s5+$0x0], $0xffff  }
0x5e: {  	v22 =	vshll.u32 v22, $0x7;
	v41 =	vnsel vm8, $0x0, v13;
	vm8 =	vgt.s32 v16, $0x0;
	v33 =	vld.idx.msk [tilespmem:v24+s5+$0x0], $0xffff  }
.Ltmp0:
0x5f: {  	v22 =	vbroadcast v22, $0x0;
	v42 =	vnsel vm8, $0x0, v16;
	vm8 =	vgt.s32 v18, $0x0;
	v32 =	vld.idx.msk [tilespmem:v23+s5+$0x0], $0xffff;
	(pc) =	sbr.rel @p2 .LBB2_3-.Ltmp0, $4  }
0x60: {  	vm9 =	vgt.s32 v26, $0x0;
	v43 =	vnsel vm8, $0x0, v18;
	vm8 =	vlt.u32 v35, $0xC380;
	v31 =	vld.idx.msk [tilespmem:v28+s5+$0x0], $0xffff  }
0x61: {  	v25 =	vmin.u32 v29, $0xC37F;
	v34 =	vor.u32 v7, v22;
	v23 =	vnsel vm9, $0x0, v26;
	v28 =	vld.idx.msk [tilespmem:v21+s5+$0x0], $0xffff  }
0x62: {  	v24 =	vmin.u32 v30, $0xC37F;
	v27 =	vmin.u32 v23, $0xC37F;
	v23 =	vmin.u32 v39, $0xC37F;
	[tilespmem:v36+s25+$0x0] =	vst.idx.msk vm7, v38;
	v30 =	vld.idx.msk [tilespmem:v20+s5+$0x0], $0xffff  }
0x63: {  	s30 =	sadd.s32 $0x80, s30;
	v21 =	vmin.u32 v41, $0xC37F;
	v20 =	vmin.u32 v42, $0xC37F;
	[tilespmem:v37+s25+$0x0] =	vst.idx.msk vm6, v40;
	v29 =	vld.idx.msk [tilespmem:v19+s5+$0x0], $0xffff;
	v19 =	vmin.u32 v43, $0xC37F  }
0x64: {  	_ =	sdelay $0x3  }
0x65: {  	vm4 =	vmmov vm4  }
0x66: {  	vm6 =	vlt.u32 v26, $0xC380;
	[tilespmem:v17+s25+$0x0] =	vst.idx.msk vm0, v33  }
0x67: {  	vm0 =	vmmov vm5;
	[tilespmem:v14+s25+$0x0] =	vst.idx.msk vm2, v32;
	v14 =	vor.u32 v0, v22;
	v17 =	vld.idx.msk [tilespmem:v27+s5+$0x0], $0xffff  }
0x68: {  	vm2 =	vlt.u32 v12, $0xC380;
	vm13 =	vlt.u32 v15, $0xC380;
	v12 =	vor.u32 v1, v22;
	v15 =	vld.idx.msk [tilespmem:v25+s5+$0x0], $0xffff;
	[tilespmem:v34+s25+$0x0] =	vst.idx.msk vm8, v31  }
0x69: {  	vm7 =	vlt.u32 v13, $0xC380;
	v13 =	vor.u32 v2, v22;
	vm5 =	vmmov vm13;
	[tilespmem:v11+s25+$0x0] =	vst.idx.msk vm3, v28;
	v11 =	vld.idx.msk [tilespmem:v24+s5+$0x0], $0xffff  }
0x6a: {  	vm3 =	vlt.u32 v16, $0xC380;
	v16 =	vor.u32 v3, v22;
	[tilespmem:v10+s25+$0x0] =	vst.idx.msk vm1, v30;
	vm1 =	vmmov vm7;
	v10 =	vld.idx.msk [tilespmem:v23+s5+$0x0], $0xffff  }
0x6b: {  	vm14 =	vlt.u32 v18, $0xC380;
	v18 =	vor.u32 v4, v22;
	vm3 =	vmmov vm3;
	[tilespmem:v9+s25+$0x0] =	vst.idx.msk vm4, v29;
	v9 =	vld.idx.msk [tilespmem:v21+s5+$0x0], $0xffff  }
0x6c: {  	v21 =	vor.u32 v5, v22;
	[tilespmem:v14+s25+$0x0] =	vst.idx.msk vm6, v17;
	v14 =	vld.idx.msk [tilespmem:v20+s5+$0x0], $0xffff  }
0x6d: {  	v17 =	vor.u32 v6, v22;
	[tilespmem:v12+s25+$0x0] =	vst.idx.msk vm0, v15;
	v12 =	vld.idx.msk [tilespmem:v19+s5+$0x0], $0xffff  }
0x6e: {  	[tilespmem:v13+s25+$0x0] =	vst.idx.msk vm2, v11  }
0x6f: {  	[tilespmem:v16+s25+$0x0] =	vst.idx.msk vm5, v10  }
0x70: {  	[tilespmem:v18+s25+$0x0] =	vst.idx.msk vm1, v9  }
0x71: {  	[tilespmem:v21+s25+$0x0] =	vst.idx.msk vm3, v14  }
0x72: {  	[tilespmem:v17+s25+$0x0] =	vst.idx.msk vm14, v12  }
0x73: {  	[tilespmem:s23], [sflag:$0x4] =	stream.strided.gather [spmem:s26], $0x2000, s22, s16, $0x38;
	[tilespmem:$0x1F300] =	vst v63  }
0x74: {  	_ =	swait.ge [sflag:s24], $0x2000  }
0x75: {  	[sflag:s24] =	ssyncset.done $0x0  }
0x76: {  	s29 =	simm.s32 $0x18B40;
	[sflag:s24] =	ssyncadd.s32 $0xFFFFE000  }
0x77: {  	v14 =	vld [tilespmem:s29+$0x30]  }
0x78: {  	v15 =	vld [tilespmem:s29+$0xFFFFFFD0]  }
0x79: {  	s28 =	simm.s32 $0x2070;
	v13 =	vld [tilespmem:s29+$0xFFFFFFE0]  }
0x7a: {  	v18 =	vmov s28;
	v11 =	vld [tilespmem:s29+$0xFFFFFFF0]  }
0x7b: {  	s18 =	simm.s32 $0x2050;
	v18 =	vshrl.u32 v18, $0x7;
	v20 =	vld [tilespmem:s29+$0xFFFFFFC0]  }
0x7c: {  	s2 =	simm.s32 $0x2040;
	vm15 =	vmmov vm14;
	v29 =	vmov s18;
	v18 =	vshll.u32 v18, v8;
	v10 =	vld [tilespmem:s29+$0x0]  }
0x7d: {  	v25 =	vmov s2;
	v29 =	vshrl.u32 v29, $0x7;
	v18 =	vbroadcast v18, $0x0;
	v9 =	vld [tilespmem:s29+$0x10]  }
0x7e: {  	v12 =	vld [tilespmem:s29+$0x20];
	vm1 =	vgt.s32 v14, $0x0;
	vm0 =	vlt.u32 v15, $0xC380;
	vm2 =	vgt.s32 v15, $0x0  }
0x7f: {  	v16 =	vnsel vm1, $0x0, v14;
	v15 =	vnsel vm2, $0x0, v15;
	vm1 =	vgt.s32 v13, $0x0  }
0x80: {  	vm2 =	vgt.s32 v20, $0x0;
	v17 =	vnsel vm1, $0x0, v13;
	vm1 =	vgt.s32 v11, $0x0  }
0x81: {  	v16 =	vmin.u32 v16, $0xC37F;
	v19 =	vnsel vm1, $0x0, v11;
	vm1 =	vgt.s32 v10, $0x0  }
0x82: {  	v15 =	vmin.u32 v15, $0xC37F;
	v21 =	vnsel vm1, $0x0, v10;
	vm1 =	vgt.s32 v9, $0x0  }
0x83: {  	v17 =	vmin.u32 v17, $0xC37F;
	v22 =	vnsel vm1, $0x0, v9;
	vm1 =	vgt.s32 v12, $0x0  }
0x84: {  	v23 =	vnsel vm1, $0x0, v12;
	vm1 =	vlt.u32 v14, $0xC380;
	v14 =	vnsel vm2, $0x0, v20  }
0x85: {  	v26 =	vor.u32 v7, v18;
	s29 =	simm.s32 $0x2000;
	v24 =	vmin.u32 v19, $0xC37F;
	v18 =	vmin.u32 v14, $0xC37F  }
0x86: {  	s30 =	simm.s32 $0x2010;
	v19 =	vmov s29;
	s29 =	simm.s32 $0x2060;
	v21 =	vmin.u32 v21, $0xC37F;
	v28 =	vmin.u32 v22, $0xC37F;
	v27 =	vld.idx.msk [tilespmem:v16+s5+$0x0], $0xffff  }
0x87: {  	v61 =	vshrl.u32 v19, $0x7;
	v62 =	vmov s29;
	v22 =	vmov s30  }
0x88: {  	s31 =	simm.s32 $0x2020;
	s3 =	simm.s32 $0x2030;
	v30 =	vshll.u32 v61, v8;
	v31 =	vshrl.u32 v62, $0x7;
	v14 =	vmin.u32 v23, $0xC37F;
	v15 =	vld.idx.msk [tilespmem:v15+s5+$0x0], $0xffff  }
0x89: {  	v23 =	vmov s31;
	v16 =	vmov s3;
	v22 =	vshrl.u32 v22, $0x7;
	v17 =	vld.idx.msk [tilespmem:v17+s5+$0x0], $0xffff  }
0x8a: {  	v16 =	vshrl.u32 v16, $0x7;
	v63 =	vshll.u32 v22, v8;
	v22 =	vshll.u32 v29, v8;
	v19 =	vld.idx.msk [tilespmem:v18+s5+$0x0], $0xffff  }
0x8b: {  	v18 =	vshrl.u32 v23, $0x7;
	v23 =	vshrl.u32 v25, $0x7;
	[tilespmem:v26+s25+$0x0] =	vst.idx.msk vm1, v27;
	vm1 =	vlt.u32 v20, $0xC380;
	v20 =	vld.idx.msk [tilespmem:v28+s5+$0x0], $0xffff  }
0x8c: {  	v27 =	vbroadcast v30, $0x0;
	v26 =	vbroadcast v63, $0x0;
	v25 =	vshll.u32 v18, v8;
	v18 =	vld.idx.msk [tilespmem:v24+s5+$0x0], $0xffff  }
0x8d: {  	s29 =	simm.s32 $0x0;
	s30 =	simm.s32 $0x18BC0;
	v24 =	vshll.u32 v16, v8;
	v16 =	vld.idx.msk [tilespmem:v21+s5+$0x0], $0xffff;
	v23 =	vshll.u32 v23, v8;
	v21 =	vshll.u32 v31, v8  }
.LBB2_5:
0x8e: {  	vm3 =	vlt.u32 v13, $0xC380  }
0x8f: {  	v28 =	vld [tilespmem:s30+$0x30];
	s29 =	sadd.s32 $0x8, s29;
	v25 =	vbroadcast v25, $0x0;
	v24 =	vbroadcast v24, $0x0;
	vm7 =	vmmov vm0  }
0x90: {  	v23 =	vbroadcast v23, $0x0;
	v22 =	vbroadcast v22, $0x0;
	v29 =	vld [tilespmem:s30+$0xFFFFFFD0];
	p2 =	slt.u32 s29, $0x1F8;
	v27 =	vor.u32 v0, v27  }
0x91: {  	v21 =	vbroadcast v21, $0x0;
	v26 =	vor.u32 v1, v26;
	v13 =	vld [tilespmem:s30+$0xFFFFFFE0];
	v25 =	vor.u32 v2, v25  }
0x92: {  	vm6 =	vlt.u32 v11, $0xC380;
	vm5 =	vlt.u32 v10, $0xC380;
	v24 =	vor.u32 v3, v24;
	v11 =	vld [tilespmem:s30+$0xFFFFFFF0]  }
0x93: {  	vm4 =	vlt.u32 v9, $0xC380;
	v23 =	vor.u32 v4, v23;
	v22 =	vor.u32 v5, v22;
	v10 =	vld [tilespmem:s30+$0x0]  }
0x94: {  	vm2 =	vlt.u32 v12, $0xC380;
	v21 =	vor.u32 v6, v21;
	v9 =	vld [tilespmem:s30+$0x10];
	vm8 =	vgt.s32 v28, $0x0  }
0x95: {  	vm0 =	vlt.u32 v29, $0xC380;
	vm9 =	vgt.s32 v29, $0x0;
	v12 =	vld [tilespmem:s30+$0x20];
	v30 =	vnsel vm8, $0x0, v28;
	[tilespmem:v27+s25+$0x0] =	vst.idx.msk vm1, v19  }
0x96: {  	s28 =	sadd.s32 $0x80, s28;
	v27 =	vld [tilespmem:s30+$0xFFFFFFC0];
	v19 =	vnsel vm9, $0x0, v29;
	vm1 =	vgt.s32 v13, $0x0;
	v29 =	vmin.u32 v30, $0xC37F;
	[tilespmem:v26+s25+$0x0] =	vst.idx.msk vm7, v15  }
0x97: {  	s2 =	sadd.s32 $0xFFFFFF90, s28;
	s3 =	sadd.s32 $0xFFFFFFA0, s28;
	s18 =	sadd.s32 $0xFFFFFFB0, s28;
	v26 =	vmov s28;
	v15 =	vnsel vm1, $0x0, v13;
	vm1 =	vgt.s32 v11, $0x0;
	[tilespmem:v25+s25+$0x0] =	vst.idx.msk vm3, v17;
	v14 =	vld.idx.msk [tilespmem:v14+s5+$0x0], $0xffff  }
0x98: {  	s31 =	sadd.s32 $0xFFFFFFC0, s28;
	s21 =	sadd.s32 $0xFFFFFFD0, s28;
	s0 =	sadd.s32 $0xFFFFFFE0, s28;
	v25 =	vshrl.u32 v26, $0x7;
	v17 =	vnsel vm1, $0x0, v11;
	vm1 =	vgt.s32 v10, $0x0;
	[tilespmem:v24+s25+$0x0] =	vst.idx.msk vm6, v18  }
0x99: {  	s4 =	sadd.s32 $0xFFFFFFF0, s28;
	v24 =	vshll.u32 v25, v8;
	v18 =	vnsel vm1, $0x0, v10;
	vm1 =	vgt.s32 v9, $0x0;
	[tilespmem:v23+s25+$0x0] =	vst.idx.msk vm5, v16  }
0x9a: {  	v23 =	vbroadcast v24, $0x0;
	v16 =	vnsel vm1, $0x0, v9;
	vm1 =	vgt.s32 v12, $0x0;
	[tilespmem:v22+s25+$0x0] =	vst.idx.msk vm4, v20  }
0x9b: {  	vm3 =	vgt.s32 v27, $0x0;
	v20 =	vnsel vm1, $0x0, v12;
	vm1 =	vlt.u32 v28, $0xC380;
	v22 =	vld.idx.msk [tilespmem:v29+s5+$0x0], $0xffff  }
0x9c: {  	v19 =	vmin.u32 v19, $0xC37F;
	v23 =	vor.u32 v7, v23;
	v24 =	vnsel vm3, $0x0, v27  }
0x9d: {  	v25 =	vmin.u32 v15, $0xC37F;
	v26 =	vmin.u32 v17, $0xC37F;
	v24 =	vmin.u32 v24, $0xC37F;
	[tilespmem:v21+s25+$0x0] =	vst.idx.msk vm2, v14  }
0x9e: {  	v28 =	vmin.u32 v16, $0xC37F;
	v21 =	vmin.u32 v18, $0xC37F;
	v14 =	vmin.u32 v20, $0xC37F  }
0x9f: {  	v15 =	vmov s2;
	v17 =	vmov s18;
	v16 =	vmov s3  }
0xa0: {  	v29 =	vmov s0;
	v18 =	vmov s31;
	v20 =	vmov s21  }
0xa1: {  	v31 =	vmov s4;
	v30 =	vshrl.u32 v15, $0x7;
	v16 =	vshrl.u32 v16, $0x7;
	v15 =	vld.idx.msk [tilespmem:v19+s5+$0x0], $0xffff;
	[tilespmem:v23+s25+$0x0] =	vst.idx.msk vm1, v22  }
.Ltmp1:
0xa2: {  	v20 =	vshrl.u32 v20, $0x7;
	v22 =	vshrl.u32 v17, $0x7;
	v23 =	vshrl.u32 v18, $0x7;
	v19 =	vld.idx.msk [tilespmem:v24+s5+$0x0], $0xffff;
	(pc) =	sbr.rel @p2 .LBB2_5-.Ltmp1, $4  }
0xa3: {  	v31 =	vshrl.u32 v31, $0x7;
	v30 =	vshll.u32 v30, v8;
	v29 =	vshrl.u32 v29, $0x7;
	v17 =	vld.idx.msk [tilespmem:v25+s5+$0x0], $0xffff  }
0xa4: {  	v32 =	vshll.u32 v16, v8;
	v24 =	vshll.u32 v23, v8;
	v25 =	vshll.u32 v22, v8;
	v18 =	vld.idx.msk [tilespmem:v26+s5+$0x0], $0xffff  }
0xa5: {  	v23 =	vshll.u32 v20, v8;
	v22 =	vshll.u32 v29, v8;
	v16 =	vld.idx.msk [tilespmem:v21+s5+$0x0], $0xffff;
	v21 =	vshll.u32 v31, v8  }
0xa6: {  	s30 =	sadd.s32 $0x80, s30;
	vm1 =	vlt.u32 v27, $0xC380;
	v27 =	vbroadcast v30, $0x0;
	v26 =	vbroadcast v32, $0x0;
	v20 =	vld.idx.msk [tilespmem:v28+s5+$0x0], $0xffff  }
0xa7: {  	_ = 	snop  }
0xa8: {  	v25 =	vbroadcast v25, $0x0;
	vm0 =	vmmov vm0;
	v27 =	vor.u32 v0, v27  }
0xa9: {  	vm2 =	vlt.u32 v13, $0xC380;
	v13 =	vbroadcast v24, $0x0;
	v24 =	vor.u32 v1, v26  }
0xaa: {  	v23 =	vbroadcast v23, $0x0;
	vm3 =	vlt.u32 v11, $0xC380;
	v25 =	vor.u32 v2, v25  }
0xab: {  	v11 =	vbroadcast v22, $0x0;
	vm4 =	vlt.u32 v10, $0xC380;
	v13 =	vor.u32 v3, v13  }
0xac: {  	v10 =	vbroadcast v21, $0x0;
	vm5 =	vlt.u32 v9, $0xC380;
	v21 =	vor.u32 v4, v23  }
0xad: {  	vm6 =	vlt.u32 v12, $0xC380;
	v9 =	vor.u32 v5, v11;
	[tilespmem:v27+s25+$0x0] =	vst.idx.msk vm1, v19  }
0xae: {  	v10 =	vor.u32 v6, v10;
	v11 =	vld.idx.msk [tilespmem:v14+s5+$0x0], $0xffff;
	[tilespmem:v24+s25+$0x0] =	vst.idx.msk vm0, v15  }
0xaf: {  	[tilespmem:v25+s25+$0x0] =	vst.idx.msk vm2, v17  }
0xb0: {  	[tilespmem:v13+s25+$0x0] =	vst.idx.msk vm3, v18  }
0xb1: {  	[tilespmem:v21+s25+$0x0] =	vst.idx.msk vm4, v16  }
0xb2: {  	[tilespmem:v9+s25+$0x0] =	vst.idx.msk vm5, v20  }
0xb3: {  	[tilespmem:v10+s25+$0x0] =	vst.idx.msk vm6, v11  }
0xb4: {  	_ =	swait.ge [sflag:s19], $0xC300  }
0xb5: {  	[sflag:s19] =	ssyncset.done $0x0  }
0xb6: {  	[sflag:s19] =	ssyncadd.s32 $0xFFFF3D00  }
0xb7: {  	_ =	swait.ge [sflag:s19], $0x400  }
0xb8: {  	[sflag:s19] =	ssyncset.done $0x0  }
0xb9: {  	[sflag:s19] =	ssyncadd.s32 $0xFFFFFC00  }
0xba: {  	v9 =	vld [tilespmem:s11+$0x18700];
	_ =	sdelay $0x4  }
0xbb: {  	[tilespmem:$0x18680] =	vst v9  }
0xbc: {  	v9 =	vld [tilespmem:s11+$0x18710]  }
0xbd: {  	s0 =	smul.u32 $0x30E000, s8;
	_ =	sdelay $0x1  }
0xbe: {  	s0 =	sadd.s32 s6, s0  }
0xbf: {  	s0 =	sshrl.u32 s0, $0x3;
	s2 =	rddreg [dreg:$0x0]  }
0xc0: {  	s4 =	simm.s32 $0x0;
	s28 =	sadd.s32 s2, s0;
	[tilespmem:$0x18690] =	vst v9  }
0xc1: {  	[tilespmem:s4], [sflag:$0x1] =	stream.strided.gather [hbm4b:s28+s16], $0xC380, s17, s16, $0x38;
	[tilespmem:$0x1F300] =	vst v63  }
0xc2: {  	s9 =	rddreg [dreg:$0x4]  }
0xc3: {  	[tilespmem:s23], [sflag:$0x4] =	stream.strided.gather [spmem:s9], $0x2000, s22, s16, $0x38;
	[tilespmem:$0x1F300] =	vst v63  }
0xc4: {  	_ =	swait.ge [sflag:s24], $0x2000  }
0xc5: {  	[sflag:s24] =	ssyncset.done $0x0  }
0xc6: {  	s18 =	simm.s32 $0x18B40;
	[sflag:s24] =	ssyncadd.s32 $0xFFFFE000  }
0xc7: {  	v9 =	vld [tilespmem:s18+$0x30]  }
0xc8: {  	v10 =	vld [tilespmem:s18+$0xFFFFFFD0]  }
0xc9: {  	v11 =	vld [tilespmem:s18+$0xFFFFFFE0]  }
0xca: {  	v18 =	vmov s4;
	v12 =	vld [tilespmem:s18+$0xFFFFFFF0]  }
0xcb: {  	v18 =	vshrl.u32 v18, $0x7;
	v13 =	vld [tilespmem:s18+$0x0]  }
0xcc: {  	v18 =	vshll.u32 v18, $0x7;
	v14 =	vld [tilespmem:s18+$0x10]  }
0xcd: {  	v18 =	vbroadcast v18, $0x0;
	v15 =	vld [tilespmem:s18+$0x20]  }
0xce: {  	s21 =	simm.s32 $0x18BC0;
	v16 =	vld [tilespmem:s18+$0xFFFFFFC0]  }
0xcf: {  	v21 =	vor.u32 v7, v18;
	v26 =	vld [tilespmem:s21+$0x30]  }
0xd0: {  	v28 =	vor.u32 v0, v18;
	v31 =	vor.u32 v1, v18;
	v33 =	vor.u32 v2, v18  }
0xd1: {  	v34 =	vor.u32 v3, v18;
	v9 =	vadd.s32 $0xFFFF3C80, v9;
	v10 =	vadd.s32 $0xFFFF3C80, v10  }
0xd2: {  	v11 =	vadd.s32 $0xFFFF3C80, v11;
	v12 =	vadd.s32 $0xFFFF3C80, v12;
	v13 =	vadd.s32 $0xFFFF3C80, v13  }
0xd3: {  	v14 =	vadd.s32 $0xFFFF3C80, v14;
	v15 =	vadd.s32 $0xFFFF3C80, v15;
	v16 =	vadd.s32 $0xFFFF3C80, v16  }
0xd4: {  	v35 =	vadd.s32 $0xFFFF3C80, v26;
	vm0 =	vgt.s32 v9, $0x0;
	vm1 =	vgt.s32 v10, $0x0  }
0xd5: {  	vm2 =	vgt.s32 v12, $0x0;
	vm3 =	vgt.s32 v13, $0x0;
	vm5 =	vgt.s32 v14, $0x0  }
0xd6: {  	v27 =	vld [tilespmem:s21+$0xFFFFFFE0];
	vm6 =	vgt.s32 v15, $0x0;
	vm7 =	vgt.s32 v16, $0x0;
	vm4 =	vlt.u32 v9, $0xC320  }
0xd7: {  	vm8 =	vlt.u32 v16, $0xC320;
	v17 =	vnsel vm0, $0x0, v9;
	vm0 =	vgt.s32 v11, $0x0  }
0xd8: {  	v19 =	vnsel vm1, $0x0, v10;
	v9 =	vnsel vm7, $0x0, v16;
	v22 =	vnsel vm2, $0x0, v12  }
0xd9: {  	v23 =	vnsel vm3, $0x0, v13;
	v24 =	vnsel vm5, $0x0, v14;
	vm5 =	vlt.u32 v11, $0xC320  }
0xda: {  	vm3 =	vlt.u32 v12, $0xC320;
	vm2 =	vlt.u32 v13, $0xC320;
	vm1 =	vlt.u32 v15, $0xC320  }
0xdb: {  	vm7 =	vgt.s32 v35, $0x0;
	v13 =	vadd.s32 $0xFFFF3C80, v27;
	v17 =	vmin.u32 v17, $0xC31F  }
0xdc: {  	v26 =	vld [tilespmem:s21+$0xFFFFFFC0];
	v20 =	vnsel vm0, $0x0, v11;
	v25 =	vmin.u32 v9, $0xC31F;
	v19 =	vmin.u32 v19, $0xC31F  }
0xdd: {  	v16 =	vld [tilespmem:s21+$0xFFFFFFD0];
	v9 =	vnsel vm6, $0x0, v15;
	v22 =	vmin.u32 v22, $0xC31F;
	v23 =	vmin.u32 v23, $0xC31F  }
0xde: {  	v24 =	vmin.u32 v24, $0xC31F;
	vm6 =	vlt.u32 v10, $0xC320;
	vm0 =	vlt.u32 v14, $0xC320;
	v14 =	vld [tilespmem:s21+$0xFFFFFFF0]  }
0xdf: {  	v29 =	vld [tilespmem:s21+$0x0];
	v11 =	vor.u32 v4, v18;
	v10 =	vor.u32 v5, v18;
	vm1 =	vmmov vm1  }
0xe0: {  	v30 =	vld [tilespmem:s21+$0x10];
	vm10 =	vgt.s32 v13, $0x0;
	v20 =	vmin.u32 v20, $0xC31F;
	v32 =	vmin.u32 v9, $0xC31F  }
0xe1: {  	v9 =	vor.u32 v6, v18;
	v18 =	vld [tilespmem:s21+$0x20];
	v62 =	vnsel vm10, $0x0, v13;
	v26 =	vadd.s32 $0xFFFF3C80, v26  }
0xe2: {  	s29 =	simm.s32 $0x80;
	v12 =	vadd.s32 $0xFFFF3C80, v16;
	v16 =	vnsel vm7, $0x0, v35;
	vm7 =	vlt.u32 v35, $0xC320;
	v27 =	vld.idx.msk [tilespmem:v17+s20+$0x0], $0xffff  }
0xe3: {  	v15 =	vadd.s32 $0xFFFF3C80, v14;
	v36 =	vmin.u32 v16, $0xC31F;
	v25 =	vld.idx.msk [tilespmem:v25+s20+$0x0], $0xffff;
	v14 =	vmov s29  }
0xe4: {  	vm9 =	vgt.s32 v12, $0x0;
	v16 =	vadd.s32 $0xFFFF3C80, v29;
	v19 =	vld.idx.msk [tilespmem:v19+s20+$0x0], $0xffff;
	v14 =	vshrl.u32 v14, $0x7  }
0xe5: {  	v17 =	vadd.s32 $0xFFFF3C80, v30;
	v37 =	vld.idx.msk [tilespmem:v22+s20+$0x0], $0xffff;
	vm11 =	vgt.s32 v15, $0x0;
	v14 =	vshll.u32 v14, $0x7  }
0xe6: {  	vm12 =	vgt.s32 v16, $0x0;
	v20 =	vld.idx.msk [tilespmem:v20+s20+$0x0], $0xffff;
	v18 =	vadd.s32 $0xFFFF3C80, v18;
	v14 =	vbroadcast v14, $0x0  }
0xe7: {  	v29 =	vld.idx.msk [tilespmem:v23+s20+$0x0], $0xffff;
	vm13 =	vgt.s32 v17, $0x0;
	vm14 =	vgt.s32 v18, $0x0;
	v63 =	vnsel vm11, $0x0, v15;
	[tilespmem:v21+s25+$0x0] =	vst.idx.msk vm4, v27  }
0xe8: {  	v38 =	vnsel vm12, $0x0, v16;
	v30 =	vnsel vm13, $0x0, v17;
	v27 =	vor.u32 v7, v14;
	[tilespmem:v28+s25+$0x0] =	vst.idx.msk vm8, v25;
	v25 =	vld.idx.msk [tilespmem:v36+s20+$0x0], $0xffff  }
0xe9: {  	vm4 =	vgt.s32 v26, $0x0;
	v21 =	vnsel vm9, $0x0, v12;
	[tilespmem:v31+s25+$0x0] =	vst.idx.msk vm6, v19;
	v28 =	vld.idx.msk [tilespmem:v24+s20+$0x0], $0xffff;
	v31 =	vnsel vm14, $0x0, v18  }
0xea: {  	v19 =	vmin.u32 v38, $0xC31F;
	[tilespmem:v34+s25+$0x0] =	vst.idx.msk vm3, v37;
	v22 =	vnsel vm4, $0x0, v26;
	v21 =	vmin.u32 v21, $0xC31F  }
0xeb: {  	s30 =	simm.s32 $0x8;
	s31 =	simm.s32 $0x18C40;
	v24 =	vld.idx.msk [tilespmem:v32+s20+$0x0], $0xffff;
	[tilespmem:v33+s25+$0x0] =	vst.idx.msk vm5, v20;
	v20 =	vmin.u32 v63, $0xC31F;
	v23 =	vmin.u32 v22, $0xC31F;
	v22 =	vmin.u32 v62, $0xC31F  }
.LBB2_7:
0xec: {  	v32 =	vld [tilespmem:s31+$0x30];
	s30 =	sadd.s32 $0x8, s30;
	vm5 =	vlt.u32 v26, $0xC320;
	v30 =	vmin.u32 v30, $0xC31F;
	v31 =	vmin.u32 v31, $0xC31F;
	[tilespmem:v11+s25+$0x0] =	vst.idx.msk vm2, v29  }
0xed: {  	vm6 =	vlt.u32 v12, $0xC320;
	vm4 =	vlt.u32 v13, $0xC320;
	vm3 =	vlt.u32 v15, $0xC320;
	v26 =	vld [tilespmem:s31+$0xFFFFFFD0];
	p2 =	slt.u32 s30, $0x1F8;
	[tilespmem:v27+s25+$0x0] =	vst.idx.msk vm7, v25  }
0xee: {  	vm2 =	vlt.u32 v16, $0xC320;
	vm7 =	vlt.u32 v18, $0xC320;
	v13 =	vld [tilespmem:s31+$0xFFFFFFE0];
	[tilespmem:v10+s25+$0x0] =	vst.idx.msk vm0, v28;
	vm0 =	vlt.u32 v17, $0xC320  }
0xef: {  	v33 =	vor.u32 v1, v14;
	v34 =	vor.u32 v2, v14;
	v28 =	vor.u32 v0, v14;
	v15 =	vld [tilespmem:s31+$0xFFFFFFF0]  }
0xf0: {  	v35 =	vor.u32 v3, v14;
	v11 =	vor.u32 v4, v14;
	v10 =	vor.u32 v5, v14;
	v16 =	vld [tilespmem:s31+$0x0]  }
0xf1: {  	v17 =	vld [tilespmem:s31+$0x10];
	v25 =	vadd.s32 $0xFFFF3C80, v32;
	[tilespmem:v9+s25+$0x0] =	vst.idx.msk vm1, v24;
	v9 =	vor.u32 v6, v14;
	vm1 =	vmmov vm7  }
0xf2: {  	v12 =	vadd.s32 $0xFFFF3C80, v26;
	v14 =	vld [tilespmem:s31+$0x20];
	vm7 =	vgt.s32 v25, $0x0  }
0xf3: {  	v24 =	vld [tilespmem:s31+$0xFFFFFFC0];
	vm8 =	vgt.s32 v12, $0x0;
	v13 =	vadd.s32 $0xFFFF3C80, v13;
	v18 =	vnsel vm7, $0x0, v25  }
0xf4: {  	s29 =	sadd.s32 $0x80, s29;
	vm9 =	vgt.s32 v13, $0x0;
	v15 =	vadd.s32 $0xFFFF3C80, v15;
	v27 =	vmin.u32 v18, $0xC31F;
	v23 =	vld.idx.msk [tilespmem:v23+s20+$0x0], $0xffff  }
0xf5: {  	v18 =	vmov s29;
	vm10 =	vgt.s32 v15, $0x0;
	v16 =	vadd.s32 $0xFFFF3C80, v16;
	v21 =	vld.idx.msk [tilespmem:v21+s20+$0x0], $0xffff  }
0xf6: {  	v18 =	vshrl.u32 v18, $0x7;
	vm11 =	vgt.s32 v16, $0x0;
	v17 =	vadd.s32 $0xFFFF3C80, v17;
	v22 =	vld.idx.msk [tilespmem:v22+s20+$0x0], $0xffff  }
0xf7: {  	v29 =	vshll.u32 v18, $0x7;
	vm12 =	vgt.s32 v17, $0x0;
	v18 =	vadd.s32 $0xFFFF3C80, v14;
	v32 =	vld.idx.msk [tilespmem:v20+s20+$0x0], $0xffff  }
0xf8: {  	v14 =	vbroadcast v29, $0x0;
	v26 =	vadd.s32 $0xFFFF3C80, v24;
	vm13 =	vgt.s32 v18, $0x0;
	v29 =	vld.idx.msk [tilespmem:v19+s20+$0x0], $0xffff  }
.Ltmp2:
0xf9: {  	vm7 =	vlt.u32 v25, $0xC320;
	v19 =	vnsel vm8, $0x0, v12;
	vm14 =	vgt.s32 v26, $0x0;
	v25 =	vld.idx.msk [tilespmem:v27+s20+$0x0], $0xffff;
	(pc) =	sbr.rel @p2 .LBB2_7-.Ltmp2, $4  }
0xfa: {  	v36 =	vnsel vm9, $0x0, v13;
	v27 =	vor.u32 v7, v14;
	v20 =	vnsel vm14, $0x0, v26;
	[tilespmem:v28+s25+$0x0] =	vst.idx.msk vm5, v23;
	v28 =	vld.idx.msk [tilespmem:v30+s20+$0x0], $0xffff  }
0xfb: {  	v37 =	vnsel vm10, $0x0, v15;
	v38 =	vnsel vm11, $0x0, v16;
	v30 =	vnsel vm12, $0x0, v17;
	[tilespmem:v33+s25+$0x0] =	vst.idx.msk vm6, v21;
	v24 =	vld.idx.msk [tilespmem:v31+s20+$0x0], $0xffff  }
0xfc: {  	v23 =	vmin.u32 v20, $0xC31F;
	v21 =	vmin.u32 v19, $0xC31F;
	v31 =	vnsel vm13, $0x0, v18;
	[tilespmem:v34+s25+$0x0] =	vst.idx.msk vm4, v22  }
0xfd: {  	s31 =	sadd.s32 $0x80, s31;
	v20 =	vmin.u32 v37, $0xC31F;
	v19 =	vmin.u32 v38, $0xC31F;
	v22 =	vmin.u32 v36, $0xC31F;
	[tilespmem:v35+s25+$0x0] =	vst.idx.msk vm3, v32  }
0xfe: {  	_ =	sdelay $0x3  }
0xff: {  	vm3 =	vlt.u32 v26, $0xC320  }
0x100: {  	vm4 =	vlt.u32 v12, $0xC320;
	v12 =	vor.u32 v0, v14;
	v23 =	vld.idx.msk [tilespmem:v23+s20+$0x0], $0xffff;
	[tilespmem:v11+s25+$0x0] =	vst.idx.msk vm2, v29;
	v11 =	vmin.u32 v31, $0xC31F  }
0x101: {  	v26 =	vmin.u32 v30, $0xC31F;
	vm2 =	vlt.u32 v13, $0xC320;
	v13 =	vor.u32 v1, v14;
	v21 =	vld.idx.msk [tilespmem:v21+s20+$0x0], $0xffff  }
0x102: {  	vm5 =	vlt.u32 v15, $0xC320;
	[tilespmem:v27+s25+$0x0] =	vst.idx.msk vm7, v25;
	v15 =	vor.u32 v2, v14;
	v22 =	vld.idx.msk [tilespmem:v22+s20+$0x0], $0xffff  }
0x103: {  	vm6 =	vlt.u32 v16, $0xC320;
	v16 =	vld.idx.msk [tilespmem:v20+s20+$0x0], $0xffff;
	[tilespmem:v10+s25+$0x0] =	vst.idx.msk vm0, v28;
	v10 =	vor.u32 v3, v14  }
0x104: {  	vm11 =	vlt.u32 v18, $0xC320;
	vm0 =	vlt.u32 v17, $0xC320;
	v17 =	vor.u32 v4, v14;
	[tilespmem:v9+s25+$0x0] =	vst.idx.msk vm1, v24;
	v9 =	vld.idx.msk [tilespmem:v19+s20+$0x0], $0xffff  }
0x105: {  	v18 =	vor.u32 v5, v14;
	v14 =	vor.u32 v6, v14;
	v11 =	vld.idx.msk [tilespmem:v11+s20+$0x0], $0xffff;
	[tilespmem:v12+s25+$0x0] =	vst.idx.msk vm3, v23  }
0x106: {  	v12 =	vld.idx.msk [tilespmem:v26+s20+$0x0], $0xffff;
	[tilespmem:v13+s25+$0x0] =	vst.idx.msk vm4, v21  }
0x107: {  	[tilespmem:v15+s25+$0x0] =	vst.idx.msk vm2, v22  }
0x108: {  	[tilespmem:v10+s25+$0x0] =	vst.idx.msk vm5, v16  }
0x109: {  	[tilespmem:v17+s25+$0x0] =	vst.idx.msk vm6, v9  }
0x10a: {  	[tilespmem:v14+s25+$0x0] =	vst.idx.msk vm11, v11  }
0x10b: {  	[tilespmem:v18+s25+$0x0] =	vst.idx.msk vm0, v12  }
0x10c: {  	[tilespmem:s23], [sflag:$0x4] =	stream.strided.gather [spmem:s26], $0x2000, s22, s16, $0x38;
	[tilespmem:$0x1F300] =	vst v63  }
0x10d: {  	_ =	swait.ge [sflag:s24], $0x2000  }
0x10e: {  	[sflag:s24] =	ssyncset.done $0x0  }
0x10f: {  	s0 =	simm.s32 $0x18B40;
	[sflag:s24] =	ssyncadd.s32 $0xFFFFE000  }
0x110: {  	v9 =	vld [tilespmem:s0+$0x30]  }
0x111: {  	v10 =	vld [tilespmem:s0+$0xFFFFFFD0]  }
0x112: {  	v11 =	vld [tilespmem:s0+$0xFFFFFFE0]  }
0x113: {  	v12 =	vld [tilespmem:s0+$0xFFFFFFF0]  }
0x114: {  	v13 =	vld [tilespmem:s0+$0x0]  }
0x115: {  	s3 =	simm.s32 $0x2020;
	v14 =	vld [tilespmem:s0+$0x10]  }
0x116: {  	s4 =	simm.s32 $0x2030;
	s18 =	simm.s32 $0x2050;
	v27 =	vmov s3;
	v16 =	vld [tilespmem:s0+$0x20]  }
0x117: {  	s29 =	simm.s32 $0x2070;
	v28 =	vmov s4;
	v31 =	vmov s18;
	vm1 =	vmmov vm11;
	v17 =	vld [tilespmem:s0+$0xFFFFFFC0]  }
0x118: {  	v19 =	vmov s29;
	v27 =	vshrl.u32 v27, $0x7;
	v31 =	vshrl.u32 v31, $0x7  }
0x119: {  	v19 =	vshrl.u32 v19, $0x7;
	v34 =	vshll.u32 v27, v8;
	v15 =	vadd.s32 $0xFFFF3C80, v9  }
0x11a: {  	v9 =	vadd.s32 $0xFFFF3C80, v10;
	v10 =	vadd.s32 $0xFFFF3C80, v11;
	v11 =	vadd.s32 $0xFFFF3C80, v12  }
0x11b: {  	v12 =	vadd.s32 $0xFFFF3C80, v13;
	v13 =	vadd.s32 $0xFFFF3C80, v14;
	v14 =	vadd.s32 $0xFFFF3C80, v16  }
0x11c: {  	v16 =	vshll.u32 v19, v8;
	v21 =	vadd.s32 $0xFFFF3C80, v17;
	vm0 =	vgt.s32 v15, $0x0  }
0x11d: {  	vm1 =	vgt.s32 v9, $0x0;
	vm2 =	vgt.s32 v10, $0x0;
	vm3 =	vgt.s32 v11, $0x0  }
0x11e: {  	vm12 =	vgt.s32 v12, $0x0;
	vm13 =	vgt.s32 v13, $0x0;
	vm14 =	vgt.s32 v14, $0x0  }
0x11f: {  	v16 =	vbroadcast v16, $0x0;
	vm15 =	vgt.s32 v21, $0x0;
	v18 =	vnsel vm0, $0x0, v15  }
0x120: {  	vm0 =	vlt.u32 v15, $0xC320;
	v15 =	vnsel vm15, $0x0, v21;
	v18 =	vmin.u32 v18, $0xC31F  }
0x121: {  	v17 =	vnsel vm1, $0x0, v9;
	v19 =	vnsel vm2, $0x0, v10;
	v23 =	vmin.u32 v15, $0xC31F  }
0x122: {  	v20 =	vnsel vm12, $0x0, v12;
	v22 =	vnsel vm13, $0x0, v13;
	v25 =	vmin.u32 v17, $0xC31F  }
0x123: {  	v24 =	vor.u32 v7, v16;
	v16 =	vnsel vm3, $0x0, v11;
	v20 =	vmin.u32 v20, $0xC31F  }
0x124: {  	s21 =	simm.s32 $0x2000;
	s2 =	simm.s32 $0x2010;
	v15 =	vnsel vm14, $0x0, v14;
	v19 =	vmin.u32 v19, $0xC31F;
	v29 =	vmin.u32 v22, $0xC31F  }
0x125: {  	v22 =	vmov s2;
	v26 =	vmin.u32 v16, $0xC31F;
	v16 =	vmov s21;
	s21 =	simm.s32 $0x2060;
	v30 =	vld.idx.msk [tilespmem:v18+s20+$0x0], $0xffff  }
0x126: {  	s9 =	smov.u32 s26;
	s26 =	simm.s32 $0x2040;
	v15 =	vmin.u32 v15, $0xC31F;
	v22 =	vshrl.u32 v22, $0x7;
	v32 =	vmov s21;
	v17 =	vld.idx.msk [tilespmem:v23+s20+$0x0], $0xffff  }
0x127: {  	v33 =	vshll.u32 v22, v8;
	v18 =	vmov s26;
	v23 =	vshrl.u32 v16, $0x7;
	v16 =	vld.idx.msk [tilespmem:v25+s20+$0x0], $0xffff  }
0x128: {  	v32 =	vshrl.u32 v32, $0x7;
	v25 =	vshrl.u32 v28, $0x7;
	v20 =	vld.idx.msk [tilespmem:v20+s20+$0x0], $0xffff;
	v28 =	vshrl.u32 v18, $0x7  }
0x129: {  	v23 =	vshll.u32 v23, v8;
	v18 =	vld.idx.msk [tilespmem:v19+s20+$0x0], $0xffff;
	v27 =	vshll.u32 v25, v8;
	v25 =	vshll.u32 v31, v8  }
0x12a: {  	v19 =	vld.idx.msk [tilespmem:v26+s20+$0x0], $0xffff;
	v26 =	vshll.u32 v28, v8;
	v22 =	vbroadcast v23, $0x0;
	v23 =	vshll.u32 v32, v8  }
0x12b: {  	s30 =	simm.s32 $0x0;
	s31 =	simm.s32 $0x18BC0;
	v28 =	vbroadcast v33, $0x0;
	[tilespmem:v24+s25+$0x0] =	vst.idx.msk vm0, v30;
	vm0 =	vlt.u32 v21, $0xC320;
	v24 =	vbroadcast v34, $0x0;
	v21 =	vld.idx.msk [tilespmem:v29+s20+$0x0], $0xffff  }
.LBB2_9:
0x12c: {  	v29 =	vld [tilespmem:s31+$0x30];
	s30 =	sadd.s32 $0x8, s30;
	vm6 =	vlt.u32 v9, $0xC320;
	v9 =	vbroadcast v27, $0x0;
	v26 =	vbroadcast v26, $0x0  }
0x12d: {  	vm5 =	vlt.u32 v10, $0xC320;
	v10 =	vbroadcast v25, $0x0;
	v23 =	vbroadcast v23, $0x0;
	v27 =	vld [tilespmem:s31+$0xFFFFFFD0];
	p2 =	slt.u32 s30, $0x1F8  }
0x12e: {  	vm4 =	vlt.u32 v11, $0xC320;
	vm3 =	vlt.u32 v12, $0xC320;
	vm1 =	vlt.u32 v13, $0xC320;
	v25 =	vld [tilespmem:s31+$0xFFFFFFE0]  }
0x12f: {  	v12 =	vor.u32 v0, v22;
	vm2 =	vlt.u32 v14, $0xC320;
	v13 =	vor.u32 v1, v28;
	v11 =	vld [tilespmem:s31+$0xFFFFFFF0]  }
0x130: {  	v22 =	vor.u32 v2, v24;
	v24 =	vor.u32 v3, v9;
	v26 =	vor.u32 v4, v26;
	v14 =	vld [tilespmem:s31+$0x0]  }
0x131: {  	v30 =	vor.u32 v5, v10;
	v23 =	vor.u32 v6, v23;
	v28 =	vld [tilespmem:s31+$0x10];
	v29 =	vadd.s32 $0xFFFF3C80, v29  }
0x132: {  	v9 =	vadd.s32 $0xFFFF3C80, v27;
	v27 =	vld [tilespmem:s31+$0x20];
	vm7 =	vgt.s32 v29, $0x0  }
0x133: {  	v31 =	vld [tilespmem:s31+$0xFFFFFFC0];
	vm8 =	vgt.s32 v9, $0x0;
	v10 =	vadd.s32 $0xFFFF3C80, v25;
	v25 =	vnsel vm7, $0x0, v29  }
0x134: {  	s29 =	sadd.s32 $0x80, s29;
	vm7 =	vgt.s32 v10, $0x0;
	v11 =	vadd.s32 $0xFFFF3C80, v11;
	v25 =	vmin.u32 v25, $0xC31F;
	[tilespmem:v12+s25+$0x0] =	vst.idx.msk vm0, v17;
	v15 =	vld.idx.msk [tilespmem:v15+s20+$0x0], $0xffff  }
0x135: {  	s0 =	sadd.s32 $0xFFFFFF90, s29;
	s2 =	sadd.s32 $0xFFFFFFA0, s29;
	s3 =	sadd.s32 $0xFFFFFFB0, s29;
	vm0 =	vgt.s32 v11, $0x0;
	v12 =	vadd.s32 $0xFFFF3C80, v14;
	v14 =	vmov s29;
	[tilespmem:v13+s25+$0x0] =	vst.idx.msk vm6, v16  }
0x136: {  	s4 =	sadd.s32 $0xFFFFFFC0, s29;
	s18 =	sadd.s32 $0xFFFFFFD0, s29;
	s21 =	sadd.s32 $0xFFFFFFE0, s29;
	vm6 =	vgt.s32 v12, $0x0;
	v13 =	vadd.s32 $0xFFFF3C80, v28;
	v16 =	vshrl.u32 v14, $0x7;
	[tilespmem:v22+s25+$0x0] =	vst.idx.msk vm5, v18  }
0x137: {  	s26 =	sadd.s32 $0xFFFFFFF0, s29;
	vm5 =	vgt.s32 v13, $0x0;
	v14 =	vadd.s32 $0xFFFF3C80, v27;
	v16 =	vshll.u32 v16, v8;
	[tilespmem:v24+s25+$0x0] =	vst.idx.msk vm4, v19  }
0x138: {  	v24 =	vadd.s32 $0xFFFF3C80, v31;
	vm4 =	vgt.s32 v14, $0x0;
	v16 =	vbroadcast v16, $0x0;
	[tilespmem:v26+s25+$0x0] =	vst.idx.msk vm3, v20  }
0x139: {  	v17 =	vnsel vm8, $0x0, v9;
	vm8 =	vlt.u32 v29, $0xC320;
	vm3 =	vgt.s32 v24, $0x0;
	v18 =	vld.idx.msk [tilespmem:v25+s20+$0x0], $0xffff;
	[tilespmem:v30+s25+$0x0] =	vst.idx.msk vm1, v21  }
0x13a: {  	v20 =	vnsel vm7, $0x0, v10;
	v19 =	vnsel vm3, $0x0, v24;
	v16 =	vor.u32 v7, v16;
	[tilespmem:v23+s25+$0x0] =	vst.idx.msk vm2, v15  }
0x13b: {  	v22 =	vnsel vm5, $0x0, v13;
	v21 =	vnsel vm6, $0x0, v12;
	v15 =	vnsel vm0, $0x0, v11  }
0x13c: {  	v23 =	vmin.u32 v17, $0xC31F;
	v17 =	vnsel vm4, $0x0, v14;
	v19 =	vmin.u32 v19, $0xC31F  }
0x13d: {  	v20 =	vmin.u32 v20, $0xC31F;
	v21 =	vmin.u32 v21, $0xC31F;
	v25 =	vmin.u32 v15, $0xC31F  }
0x13e: {  	v26 =	vmov s0;
	v29 =	vmin.u32 v22, $0xC31F;
	v15 =	vmin.u32 v17, $0xC31F  }
0x13f: {  	v28 =	vmov s4;
	v27 =	vmov s3;
	v22 =	vmov s2;
	[tilespmem:v16+s25+$0x0] =	vst.idx.msk vm8, v18  }
0x140: {  	v31 =	vmov s26;
	v30 =	vmov s21;
	v18 =	vmov s18  }
0x141: {  	v22 =	vshrl.u32 v22, $0x7;
	v17 =	vld.idx.msk [tilespmem:v19+s20+$0x0], $0xffff;
	v19 =	vshrl.u32 v26, $0x7;
	v26 =	vshrl.u32 v27, $0x7  }
.Ltmp3:
0x142: {  	v30 =	vshrl.u32 v30, $0x7;
	v16 =	vld.idx.msk [tilespmem:v23+s20+$0x0], $0xffff;
	v23 =	vshrl.u32 v28, $0x7;
	v28 =	vshrl.u32 v18, $0x7;
	(pc) =	sbr.rel @p2 .LBB2_9-.Ltmp3, $4  }
0x143: {  	v31 =	vshrl.u32 v31, $0x7;
	v33 =	vshll.u32 v22, v8;
	v32 =	vshll.u32 v19, v8;
	v18 =	vld.idx.msk [tilespmem:v20+s20+$0x0], $0xffff  }
0x144: {  	v34 =	vshll.u32 v26, v8;
	v27 =	vshll.u32 v23, v8;
	v26 =	vshll.u32 v28, v8;
	v19 =	vld.idx.msk [tilespmem:v25+s20+$0x0], $0xffff  }
0x145: {  	v22 =	vbroadcast v32, $0x0;
	v23 =	vshll.u32 v31, v8;
	v25 =	vshll.u32 v30, v8;
	v20 =	vld.idx.msk [tilespmem:v21+s20+$0x0], $0xffff  }
0x146: {  	s31 =	sadd.s32 $0x80, s31;
	vm0 =	vlt.u32 v24, $0xC320;
	v28 =	vbroadcast v33, $0x0;
	v24 =	vbroadcast v34, $0x0;
	v21 =	vld.idx.msk [tilespmem:v29+s20+$0x0], $0xffff  }
0x147: {  	vm1 =	vlt.u32 v9, $0xC320;
	v9 =	vor.u32 v0, v22  }
0x148: {  	v22 =	vbroadcast v27, $0x0;
	vm2 =	vlt.u32 v10, $0xC320;
	v10 =	vor.u32 v1, v28  }
0x149: {  	v26 =	vbroadcast v26, $0x0;
	vm3 =	vlt.u32 v11, $0xC320;
	v11 =	vor.u32 v2, v24  }
0x14a: {  	vm4 =	vlt.u32 v12, $0xC320;
	v12 =	vor.u32 v3, v22  }
0x14b: {  	vm5 =	vlt.u32 v13, $0xC320;
	v13 =	vor.u32 v4, v26  }
0x14c: {  	v24 =	vbroadcast v25, $0x0;
	[tilespmem:v9+s25+$0x0] =	vst.idx.msk vm0, v17  }
0x14d: {  	v22 =	vbroadcast v23, $0x0;
	[tilespmem:v10+s25+$0x0] =	vst.idx.msk vm1, v16  }
0x14e: {  	vm6 =	vlt.u32 v14, $0xC320;
	v14 =	vor.u32 v5, v24;
	[tilespmem:v11+s25+$0x0] =	vst.idx.msk vm2, v18  }
0x14f: {  	v15 =	vld.idx.msk [tilespmem:v15+s20+$0x0], $0xffff;
	v9 =	vor.u32 v6, v22;
	[tilespmem:v12+s25+$0x0] =	vst.idx.msk vm3, v19  }
0x150: {  	[tilespmem:v13+s25+$0x0] =	vst.idx.msk vm4, v20  }
0x151: {  	s0 =	sshll.u32 s1, $0x14;
	s2 =	rddreg [dreg:$0x9]  }
0x152: {  	s0 =	sor.u32 s2, s0  }
0x153: {  	[tilespmem:v14+s25+$0x0] =	vst.idx.msk vm5, v21;
	s0 =	sshrl.u32 s0, $0x3  }
0x154: {  	[tilespmem:v9+s25+$0x0] =	vst.idx.msk vm6, v15;
	s0 =	sadd.s32 s10, s0  }
0x155: {  	[hbm4b:s0+s16] =	stream.strided.scatter [tilespmem:s25], [sflag:$0x3], $0x4000, s17, s16, $0x38;
	[tilespmem:$0x1F300] =	vst v63  }
0x156: {  	s2 =	smin.u32 @p1 s15, $0x17;
	s0 =	simm.s32 @p1 $0x2  }
0x157: {  	s29 =	sadd.s32 @p1 $0x2, s2;
	_ =	swait.ge @p1 [sflag:s0], $0x800  }
0x158: {  	s3 =	simm.s32 @p1 $0x1;
	s2 =	sshll.u32 @p1 s29, $0x4;
	[sflag:s0] =	ssyncset.done @p1 $0x0  }
0x159: {  	s2 =	sand.u32 @p1 $0x70, s2;
	[sflag:s0] =	ssyncadd.s32 @p1 $0xFFFFF800;
	s0 =	sshll.u32 @p1 s29, $0xB  }
0x15a: {  	s2 =	sadd.s32 @p1 s7, s2;
	[bflag:$0x0] =	sbarrier.arrive @p1 $0xFFFF;
	s0 =	sand.u32 @p1 $0x1C000, s0  }
0x15b: {  	s4 =	simm.s32 @p1 $0x20;
	s0 =	sadd.s32 @p1 s0, s2;
	s2 =	rddreg [dreg:$0x4]  }
0x15c: {  	s18 =	simm.s32 @p1 $0x80;
	s21 =	simm.s32 @p1 $0x1C02;
	s2 =	sshrl.u32 @p1 s2, $0x3  }
0x15d: {  	[spmem:s2@s4], [sflag:s21] =	dma.strided @p1 [hbm:s0@s18], $0x800, s3, $0x10   }
0x15e: {  	[bflag:$0x0] =	sbarrier.arrive @!p1 $0xFFFF  }
0x15f: {  	_ =	swait.ge [sflag:s19], $0xC380  }
0x160: {  	[sflag:s19] =	ssyncset.done $0x0  }
0x161: {  	s31 =	smov.u32 s10;
	s3 =	simm.s32 $0x3;
	[sflag:s19] =	ssyncadd.s32 $0xFFFF3C80  }
0x162: {  	s30 =	smov.u32 s7;
	s7 =	sshll.u32 s8, $0x4;
	_ =	swait.ge [sflag:s3], $0x4000  }
0x163: {  	s4 =	sadd.s32 $0xC380, s28;
	[sflag:s3] =	ssyncset.done $0x0;
	s10 =	rddreg [dreg:$0x6]  }
0x164: {  	s0 =	sand.u32 $0x70, s7;
	[sflag:s3] =	ssyncadd.s32 $0xFFFFC000;
	s2 =	sadd.s32 s10, s13  }
0x165: {  	[tilespmem:s20], [sflag:$0x1] =	stream.strided.gather [hbm4b:s4+s16], $0xC300, s17, s16, $0x38;
	[tilespmem:$0x1F300] =	vst v63  }
0x166: {  	s13 =	simm.s32 $0x18700;
	s0 =	sadd.s32 s0, s2  }
0x167: {  	[tilespmem:s13], [sflag:$0x1] =	stream.strided.gather [hbm4b:s0+s16], $0x400, s17, s16, $0x38;
	[tilespmem:$0x1F300] =	vst v63  }
0x168: {  	_ = 	snop  }
0x169: {  	[tilespmem:s23], [sflag:$0x4] =	stream.strided.gather [spmem:s12], $0x2000, s22, s16, $0x38;
	[tilespmem:$0x1F300] =	vst v63  }
0x16a: {  	_ =	swait.ge [sflag:s24], $0x2000  }
0x16b: {  	[sflag:s24] =	ssyncset.done $0x0  }
0x16c: {  	s18 =	simm.s32 $0x18B40;
	[sflag:s24] =	ssyncadd.s32 $0xFFFFE000  }
0x16d: {  	s21 =	simm.s32 $0x0;
	v9 =	vld [tilespmem:s18+$0x30]  }
0x16e: {  	v18 =	vmov s21;
	v10 =	vld [tilespmem:s18+$0xFFFFFFD0]  }
0x16f: {  	v18 =	vshrl.u32 v18, $0x7;
	v14 =	vld [tilespmem:s18+$0x10]  }
0x170: {  	v18 =	vshll.u32 v18, $0x7;
	v17 =	vld [tilespmem:s18+$0xFFFFFFC0]  }
0x171: {  	v18 =	vbroadcast v18, $0x0;
	v11 =	vld [tilespmem:s18+$0xFFFFFFE0]  }
0x172: {  	v13 =	vld [tilespmem:s18+$0x0]  }
0x173: {  	v25 =	vor.u32 v7, v18;
	v30 =	vor.u32 v0, v18;
	v36 =	vor.u32 v1, v18;
	v12 =	vld [tilespmem:s18+$0xFFFFFFF0]  }
0x174: {  	vm0 =	vgt.s32 v9, $0x0;
	vm1 =	vlt.u32 v10, $0xC380;
	vm2 =	vgt.s32 v10, $0x0  }
0x175: {  	vm7 =	vlt.u32 v9, $0xC380;
	vm9 =	vlt.u32 v17, $0xC380;
	vm5 =	vlt.u32 v14, $0xC380  }
0x176: {  	v15 =	vld [tilespmem:s18+$0x20];
	v16 =	vnsel vm0, $0x0, v9;
	v10 =	vnsel vm2, $0x0, v10;
	vm0 =	vgt.s32 v11, $0x0  }
0x177: {  	vm2 =	vgt.s32 v17, $0x0;
	vm6 =	vmmov vm1;
	vm1 =	vlt.u32 v13, $0xC380  }
0x178: {  	v16 =	vmin.u32 v16, $0xC37F;
	v19 =	vnsel vm0, $0x0, v11;
	vm0 =	vgt.s32 v12, $0x0  }
0x179: {  	v9 =	vnsel vm2, $0x0, v17;
	v20 =	vnsel vm0, $0x0, v12;
	vm0 =	vgt.s32 v13, $0x0  }
0x17a: {  	s26 =	simm.s32 $0x18BC0;
	v24 =	vmin.u32 v10, $0xC37F;
	v21 =	vnsel vm0, $0x0, v13;
	vm0 =	vgt.s32 v14, $0x0  }
0x17b: {  	v26 =	vld [tilespmem:s26+$0xFFFFFFC0];
	v17 =	vor.u32 v2, v18;
	v22 =	vnsel vm0, $0x0, v14;
	vm0 =	vgt.s32 v15, $0x0  }
0x17c: {  	v10 =	vor.u32 v5, v18;
	v23 =	vnsel vm0, $0x0, v15;
	v29 =	vmin.u32 v22, $0xC37F;
	v22 =	vld [tilespmem:s26+$0xFFFFFFD0]  }
0x17d: {  	v27 =	vmin.u32 v9, $0xC37F;
	v9 =	vor.u32 v6, v18;
	v35 =	vmin.u32 v23, $0xC37F;
	v23 =	vld [tilespmem:s26+$0x30]  }
0x17e: {  	v14 =	vor.u32 v3, v18;
	vm0 =	vlt.u32 v11, $0xC380;
	v11 =	vor.u32 v4, v18;
	v18 =	vld [tilespmem:s26+$0x20]  }
0x17f: {  	vm4 =	vlt.u32 v15, $0xC380;
	vm2 =	vlt.u32 v12, $0xC380;
	vm3 =	vmmov vm1;
	v12 =	vld [tilespmem:s26+$0xFFFFFFE0]  }
0x180: {  	vm1 =	vmmov vm5;
	v19 =	vmin.u32 v19, $0xC37F;
	vm2 =	vmmov vm2;
	v13 =	vld [tilespmem:s26+$0x0]  }
0x181: {  	v20 =	vmin.u32 v20, $0xC37F;
	v21 =	vmin.u32 v21, $0xC37F;
	v15 =	vld [tilespmem:s26+$0xFFFFFFF0];
	vm10 =	vgt.s32 v22, $0x0  }
0x182: {  	s28 =	simm.s32 $0x80;
	v28 =	vld.idx.msk [tilespmem:v16+s5+$0x0], $0xffff;
	vm5 =	vlt.u32 v22, $0xC380;
	vm8 =	vgt.s32 v23, $0x0;
	v34 =	vnsel vm10, $0x0, v22  }
0x183: {  	v16 =	vld [tilespmem:s26+$0x10];
	v22 =	vmov s28;
	vm10 =	vgt.s32 v18, $0x0;
	v31 =	vnsel vm8, $0x0, v23  }
0x184: {  	v38 =	vld.idx.msk [tilespmem:v27+s5+$0x0], $0xffff;
	vm8 =	vgt.s32 v12, $0x0;
	v22 =	vshrl.u32 v22, $0x7;
	v42 =	vnsel vm10, $0x0, v18  }
0x185: {  	v40 =	vld.idx.msk [tilespmem:v24+s5+$0x0], $0xffff;
	vm10 =	vgt.s32 v26, $0x0;
	v24 =	vmin.u32 v34, $0xC37F;
	v31 =	vmin.u32 v31, $0xC37F  }
0x186: {  	v33 =	vld.idx.msk [tilespmem:v19+s5+$0x0], $0xffff;
	v37 =	vnsel vm8, $0x0, v12;
	vm8 =	vgt.s32 v15, $0x0;
	v22 =	vshll.u32 v22, $0x7  }
0x187: {  	v32 =	vld.idx.msk [tilespmem:v20+s5+$0x0], $0xffff;
	v20 =	vnsel vm10, $0x0, v26;
	v39 =	vnsel vm8, $0x0, v15;
	vm8 =	vgt.s32 v13, $0x0  }
0x188: {  	[tilespmem:v25+s25+$0x0] =	vst.idx.msk vm7, v28;
	v28 =	vld.idx.msk [tilespmem:v21+s5+$0x0], $0xffff;
	v22 =	vbroadcast v22, $0x0;
	v41 =	vnsel vm8, $0x0, v13;
	vm8 =	vgt.s32 v16, $0x0  }
0x189: {  	s0 =	smin.u32 @!p1 s15, $0x17;
	[tilespmem:v30+s25+$0x0] =	vst.idx.msk vm9, v38;
	v30 =	vld.idx.msk [tilespmem:v29+s5+$0x0], $0xffff;
	v27 =	vmin.u32 v20, $0xC37F;
	v19 =	vnsel vm8, $0x0, v16;
	vm8 =	vlt.u32 v23, $0xC380  }
0x18a: {  	s7 =	smov.u32 s12;
	s13 =	sadd.s32 @!p1 $0x2, s0;
	v25 =	vmin.u32 v37, $0xC37F;
	v34 =	vor.u32 v7, v22;
	v23 =	vmin.u32 v39, $0xC37F;
	v31 =	vld.idx.msk [tilespmem:v31+s5+$0x0], $0xffff  }
0x18b: {  	s15 =	simm.s32 $0x8;
	s13 =	smov.u32 @p1 s29;
	s29 =	simm.s32 $0x18C40;
	[tilespmem:v36+s25+$0x0] =	vst.idx.msk vm6, v40;
	v29 =	vld.idx.msk [tilespmem:v35+s5+$0x0], $0xffff;
	v21 =	vmin.u32 v41, $0xC37F;
	v20 =	vmin.u32 v19, $0xC37F;
	v19 =	vmin.u32 v42, $0xC37F  }
.LBB2_11:
0x18c: {  	vm7 =	vlt.u32 v26, $0xC380;
	vm10 =	vlt.u32 v15, $0xC380  }
0x18d: {  	v35 =	vld [tilespmem:s29+$0x30];
	s15 =	sadd.s32 $0x8, s15;
	[tilespmem:v17+s25+$0x0] =	vst.idx.msk vm0, v33;
	vm0 =	vlt.u32 v12, $0xC380;
	vm9 =	vmmov vm4;
	vm6 =	vmmov vm5  }
0x18e: {  	vm5 =	vlt.u32 v13, $0xC380;
	vm11 =	vlt.u32 v16, $0xC380;
	vm4 =	vlt.u32 v18, $0xC380;
	v33 =	vld [tilespmem:s29+$0xFFFFFFD0];
	p2 =	slt.u32 s15, $0x1F8;
	[tilespmem:v14+s25+$0x0] =	vst.idx.msk vm2, v32  }
0x18f: {  	v36 =	vor.u32 v0, v22;
	v37 =	vor.u32 v1, v22;
	vm2 =	vmmov vm10;
	v12 =	vld [tilespmem:s29+$0xFFFFFFE0];
	[tilespmem:v34+s25+$0x0] =	vst.idx.msk vm8, v31  }
0x190: {  	v17 =	vor.u32 v2, v22;
	v16 =	vor.u32 v4, v22;
	v14 =	vor.u32 v3, v22;
	v15 =	vld [tilespmem:s29+$0xFFFFFFF0]  }
0x191: {  	v18 =	vor.u32 v5, v22;
	v22 =	vor.u32 v6, v22;
	v13 =	vld [tilespmem:s29+$0x0];
	[tilespmem:v11+s25+$0x0] =	vst.idx.msk vm3, v28;
	v11 =	vmov v16  }
0x192: {  	vm3 =	vmmov vm5;
	v16 =	vld [tilespmem:s29+$0x10];
	vm8 =	vgt.s32 v35, $0x0;
	[tilespmem:v10+s25+$0x0] =	vst.idx.msk vm1, v30;
	v10 =	vmovc v18;
	vm1 =	vmmov vm11  }
0x193: {  	vm5 =	vlt.u32 v33, $0xC380;
	vm10 =	vgt.s32 v33, $0x0;
	v18 =	vld [tilespmem:s29+$0x20];
	v28 =	vnsel vm8, $0x0, v35;
	[tilespmem:v9+s25+$0x0] =	vst.idx.msk vm9, v29;
	v9 =	vmovc v22  }
0x194: {  	s28 =	sadd.s32 $0x80, s28;
	v26 =	vld [tilespmem:s29+$0xFFFFFFC0];
	v29 =	vnsel vm10, $0x0, v33;
	vm8 =	vgt.s32 v12, $0x0;
	v28 =	vmin.u32 v28, $0xC37F  }
0x195: {  	v22 =	vmov s28;
	v30 =	vnsel vm8, $0x0, v12;
	vm8 =	vgt.s32 v15, $0x0;
	v38 =	vld.idx.msk [tilespmem:v27+s5+$0x0], $0xffff  }
0x196: {  	v22 =	vshrl.u32 v22, $0x7;
	v39 =	vnsel vm8, $0x0, v15;
	vm8 =	vgt.s32 v13, $0x0;
	v40 =	vld.idx.msk [tilespmem:v24+s5+$0x0], $0xffff  }
0x197: {  	v22 =	vshll.u32 v22, $0x7;
	v41 =	vnsel vm8, $0x0, v13;
	vm8 =	vgt.s32 v16, $0x0;
	v33 =	vld.idx.msk [tilespmem:v25+s5+$0x0], $0xffff  }
.Ltmp4:
0x198: {  	v22 =	vbroadcast v22, $0x0;
	v42 =	vnsel vm8, $0x0, v16;
	vm8 =	vgt.s32 v18, $0x0;
	v32 =	vld.idx.msk [tilespmem:v23+s5+$0x0], $0xffff;
	(pc) =	sbr.rel @p2 .LBB2_11-.Ltmp4, $4  }
0x199: {  	vm9 =	vgt.s32 v26, $0x0;
	v43 =	vnsel vm8, $0x0, v18;
	vm8 =	vlt.u32 v35, $0xC380;
	v31 =	vld.idx.msk [tilespmem:v28+s5+$0x0], $0xffff  }
0x19a: {  	v24 =	vmin.u32 v29, $0xC37F;
	v34 =	vor.u32 v7, v22;
	v23 =	vnsel vm9, $0x0, v26;
	v28 =	vld.idx.msk [tilespmem:v21+s5+$0x0], $0xffff  }
0x19b: {  	v25 =	vmin.u32 v30, $0xC37F;
	v27 =	vmin.u32 v23, $0xC37F;
	v23 =	vmin.u32 v39, $0xC37F;
	[tilespmem:v36+s25+$0x0] =	vst.idx.msk vm7, v38;
	v30 =	vld.idx.msk [tilespmem:v20+s5+$0x0], $0xffff  }
0x19c: {  	s29 =	sadd.s32 $0x80, s29;
	v21 =	vmin.u32 v41, $0xC37F;
	v20 =	vmin.u32 v42, $0xC37F;
	[tilespmem:v37+s25+$0x0] =	vst.idx.msk vm6, v40;
	v29 =	vld.idx.msk [tilespmem:v19+s5+$0x0], $0xffff;
	v19 =	vmin.u32 v43, $0xC37F  }
0x19d: {  	_ =	sdelay $0x3  }
0x19e: {  	vm4 =	vmmov vm4  }
0x19f: {  	vm6 =	vlt.u32 v26, $0xC380;
	[tilespmem:v17+s25+$0x0] =	vst.idx.msk vm0, v33  }
0x1a0: {  	vm0 =	vmmov vm5;
	[tilespmem:v14+s25+$0x0] =	vst.idx.msk vm2, v32;
	v14 =	vor.u32 v0, v22;
	v17 =	vld.idx.msk [tilespmem:v27+s5+$0x0], $0xffff  }
0x1a1: {  	vm2 =	vlt.u32 v12, $0xC380;
	vm13 =	vlt.u32 v15, $0xC380;
	v12 =	vor.u32 v1, v22;
	v15 =	vld.idx.msk [tilespmem:v24+s5+$0x0], $0xffff;
	[tilespmem:v34+s25+$0x0] =	vst.idx.msk vm8, v31  }
0x1a2: {  	vm7 =	vlt.u32 v13, $0xC380;
	v13 =	vor.u32 v2, v22;
	vm5 =	vmmov vm13;
	[tilespmem:v11+s25+$0x0] =	vst.idx.msk vm3, v28;
	v11 =	vld.idx.msk [tilespmem:v25+s5+$0x0], $0xffff  }
0x1a3: {  	vm3 =	vlt.u32 v16, $0xC380;
	v16 =	vor.u32 v3, v22;
	[tilespmem:v10+s25+$0x0] =	vst.idx.msk vm1, v30;
	vm1 =	vmmov vm7;
	v10 =	vld.idx.msk [tilespmem:v23+s5+$0x0], $0xffff  }
0x1a4: {  	vm14 =	vlt.u32 v18, $0xC380;
	v18 =	vor.u32 v4, v22;
	vm3 =	vmmov vm3;
	[tilespmem:v9+s25+$0x0] =	vst.idx.msk vm4, v29;
	v9 =	vld.idx.msk [tilespmem:v21+s5+$0x0], $0xffff  }
0x1a5: {  	v21 =	vor.u32 v5, v22;
	[tilespmem:v14+s25+$0x0] =	vst.idx.msk vm6, v17;
	v14 =	vld.idx.msk [tilespmem:v20+s5+$0x0], $0xffff  }
0x1a6: {  	v17 =	vor.u32 v6, v22;
	[tilespmem:v12+s25+$0x0] =	vst.idx.msk vm0, v15;
	v12 =	vld.idx.msk [tilespmem:v19+s5+$0x0], $0xffff  }
0x1a7: {  	[tilespmem:v13+s25+$0x0] =	vst.idx.msk vm2, v11  }
0x1a8: {  	[tilespmem:v16+s25+$0x0] =	vst.idx.msk vm5, v10  }
0x1a9: {  	[tilespmem:v18+s25+$0x0] =	vst.idx.msk vm1, v9  }
0x1aa: {  	[tilespmem:v21+s25+$0x0] =	vst.idx.msk vm3, v14  }
0x1ab: {  	[tilespmem:v17+s25+$0x0] =	vst.idx.msk vm14, v12  }
0x1ac: {  	[tilespmem:s23], [sflag:$0x4] =	stream.strided.gather [spmem:s14], $0x2000, s22, s16, $0x38;
	[tilespmem:$0x1F300] =	vst v63  }
0x1ad: {  	_ =	swait.ge [sflag:s24], $0x2000  }
0x1ae: {  	[sflag:s24] =	ssyncset.done $0x0  }
0x1af: {  	s0 =	simm.s32 $0x18B40;
	[sflag:s24] =	ssyncadd.s32 $0xFFFFE000  }
0x1b0: {  	v14 =	vld [tilespmem:s0+$0x30]  }
0x1b1: {  	v15 =	vld [tilespmem:s0+$0xFFFFFFD0]  }
0x1b2: {  	s15 =	simm.s32 $0x2070;
	v13 =	vld [tilespmem:s0+$0xFFFFFFE0]  }
0x1b3: {  	v18 =	vmov s15;
	v11 =	vld [tilespmem:s0+$0xFFFFFFF0]  }
0x1b4: {  	s26 =	simm.s32 $0x2060;
	v18 =	vshrl.u32 v18, $0x7;
	v20 =	vld [tilespmem:s0+$0xFFFFFFC0]  }
0x1b5: {  	s18 =	simm.s32 $0x2040;
	vm15 =	vmmov vm14;
	v62 =	vmov s26;
	v18 =	vshll.u32 v18, v8;
	v10 =	vld [tilespmem:s0+$0x0]  }
0x1b6: {  	v25 =	vmov s18;
	v31 =	vshrl.u32 v62, $0x7;
	v18 =	vbroadcast v18, $0x0;
	v9 =	vld [tilespmem:s0+$0x10]  }
0x1b7: {  	v12 =	vld [tilespmem:s0+$0x20];
	vm1 =	vgt.s32 v14, $0x0;
	vm0 =	vlt.u32 v15, $0xC380;
	vm2 =	vgt.s32 v15, $0x0  }
0x1b8: {  	v16 =	vnsel vm1, $0x0, v14;
	v15 =	vnsel vm2, $0x0, v15;
	vm1 =	vgt.s32 v13, $0x0  }
0x1b9: {  	vm2 =	vgt.s32 v20, $0x0;
	v17 =	vnsel vm1, $0x0, v13;
	vm1 =	vgt.s32 v11, $0x0  }
0x1ba: {  	v16 =	vmin.u32 v16, $0xC37F;
	v19 =	vnsel vm1, $0x0, v11;
	vm1 =	vgt.s32 v10, $0x0  }
0x1bb: {  	v15 =	vmin.u32 v15, $0xC37F;
	v21 =	vnsel vm1, $0x0, v10;
	vm1 =	vgt.s32 v9, $0x0  }
0x1bc: {  	v17 =	vmin.u32 v17, $0xC37F;
	v22 =	vnsel vm1, $0x0, v9;
	vm1 =	vgt.s32 v12, $0x0  }
0x1bd: {  	s21 =	simm.s32 $0x2050;
	v23 =	vnsel vm1, $0x0, v12;
	vm1 =	vlt.u32 v14, $0xC380;
	v14 =	vnsel vm2, $0x0, v20  }
0x1be: {  	s10 =	smov.u32 s14;
	v29 =	vmov s21;
	s14 =	simm.s32 $0x2000;
	v26 =	vor.u32 v7, v18;
	v18 =	vmin.u32 v14, $0xC37F  }
0x1bf: {  	v24 =	vmin.u32 v19, $0xC37F;
	v19 =	vmov s14;
	v28 =	vmin.u32 v22, $0xC37F;
	v27 =	vld.idx.msk [tilespmem:v16+s5+$0x0], $0xffff  }
0x1c0: {  	s2 =	simm.s32 $0x2010;
	v29 =	vshrl.u32 v29, $0x7;
	v21 =	vmin.u32 v21, $0xC37F;
	v61 =	vshrl.u32 v19, $0x7  }
0x1c1: {  	s3 =	simm.s32 $0x2020;
	s4 =	simm.s32 $0x2030;
	v22 =	vmov s2;
	v30 =	vshll.u32 v61, v8;
	v14 =	vmin.u32 v23, $0xC37F;
	v15 =	vld.idx.msk [tilespmem:v15+s5+$0x0], $0xffff  }
0x1c2: {  	v23 =	vmov s3;
	v16 =	vmov s4;
	v22 =	vshrl.u32 v22, $0x7;
	v17 =	vld.idx.msk [tilespmem:v17+s5+$0x0], $0xffff  }
0x1c3: {  	v16 =	vshrl.u32 v16, $0x7;
	v63 =	vshll.u32 v22, v8;
	v22 =	vshll.u32 v29, v8;
	v19 =	vld.idx.msk [tilespmem:v18+s5+$0x0], $0xffff  }
0x1c4: {  	v18 =	vshrl.u32 v23, $0x7;
	v23 =	vshrl.u32 v25, $0x7;
	[tilespmem:v26+s25+$0x0] =	vst.idx.msk vm1, v27;
	vm1 =	vlt.u32 v20, $0xC380;
	v20 =	vld.idx.msk [tilespmem:v28+s5+$0x0], $0xffff  }
0x1c5: {  	v27 =	vbroadcast v30, $0x0;
	v26 =	vbroadcast v63, $0x0;
	v25 =	vshll.u32 v18, v8;
	v18 =	vld.idx.msk [tilespmem:v24+s5+$0x0], $0xffff  }
0x1c6: {  	s28 =	simm.s32 $0x0;
	s29 =	simm.s32 $0x18BC0;
	v24 =	vshll.u32 v16, v8;
	v16 =	vld.idx.msk [tilespmem:v21+s5+$0x0], $0xffff;
	v23 =	vshll.u32 v23, v8;
	v21 =	vshll.u32 v31, v8  }
.LBB2_13:
0x1c7: {  	vm3 =	vlt.u32 v13, $0xC380  }
0x1c8: {  	v28 =	vld [tilespmem:s29+$0x30];
	s28 =	sadd.s32 $0x8, s28;
	v25 =	vbroadcast v25, $0x0;
	v24 =	vbroadcast v24, $0x0;
	vm7 =	vmmov vm0  }
0x1c9: {  	v23 =	vbroadcast v23, $0x0;
	v22 =	vbroadcast v22, $0x0;
	v29 =	vld [tilespmem:s29+$0xFFFFFFD0];
	p2 =	slt.u32 s28, $0x1F8;
	v27 =	vor.u32 v0, v27  }
0x1ca: {  	v21 =	vbroadcast v21, $0x0;
	v26 =	vor.u32 v1, v26;
	v13 =	vld [tilespmem:s29+$0xFFFFFFE0];
	v25 =	vor.u32 v2, v25  }
0x1cb: {  	vm6 =	vlt.u32 v11, $0xC380;
	vm5 =	vlt.u32 v10, $0xC380;
	v24 =	vor.u32 v3, v24;
	v11 =	vld [tilespmem:s29+$0xFFFFFFF0]  }
0x1cc: {  	vm4 =	vlt.u32 v9, $0xC380;
	v23 =	vor.u32 v4, v23;
	v22 =	vor.u32 v5, v22;
	v10 =	vld [tilespmem:s29+$0x0]  }
0x1cd: {  	vm2 =	vlt.u32 v12, $0xC380;
	v21 =	vor.u32 v6, v21;
	v9 =	vld [tilespmem:s29+$0x10];
	vm8 =	vgt.s32 v28, $0x0  }
0x1ce: {  	vm0 =	vlt.u32 v29, $0xC380;
	vm9 =	vgt.s32 v29, $0x0;
	v12 =	vld [tilespmem:s29+$0x20];
	v30 =	vnsel vm8, $0x0, v28;
	[tilespmem:v27+s25+$0x0] =	vst.idx.msk vm1, v19  }
0x1cf: {  	s15 =	sadd.s32 $0x80, s15;
	v27 =	vld [tilespmem:s29+$0xFFFFFFC0];
	v19 =	vnsel vm9, $0x0, v29;
	vm1 =	vgt.s32 v13, $0x0;
	v29 =	vmin.u32 v30, $0xC37F;
	[tilespmem:v26+s25+$0x0] =	vst.idx.msk vm7, v15  }
0x1d0: {  	s0 =	sadd.s32 $0xFFFFFF90, s15;
	s2 =	sadd.s32 $0xFFFFFFA0, s15;
	s3 =	sadd.s32 $0xFFFFFFB0, s15;
	v26 =	vmov s15;
	v15 =	vnsel vm1, $0x0, v13;
	vm1 =	vgt.s32 v11, $0x0;
	[tilespmem:v25+s25+$0x0] =	vst.idx.msk vm3, v17;
	v14 =	vld.idx.msk [tilespmem:v14+s5+$0x0], $0xffff  }
0x1d1: {  	s4 =	sadd.s32 $0xFFFFFFC0, s15;
	s18 =	sadd.s32 $0xFFFFFFD0, s15;
	s21 =	sadd.s32 $0xFFFFFFE0, s15;
	v25 =	vshrl.u32 v26, $0x7;
	v17 =	vnsel vm1, $0x0, v11;
	vm1 =	vgt.s32 v10, $0x0;
	[tilespmem:v24+s25+$0x0] =	vst.idx.msk vm6, v18  }
0x1d2: {  	s26 =	sadd.s32 $0xFFFFFFF0, s15;
	v24 =	vshll.u32 v25, v8;
	v18 =	vnsel vm1, $0x0, v10;
	vm1 =	vgt.s32 v9, $0x0;
	[tilespmem:v23+s25+$0x0] =	vst.idx.msk vm5, v16  }
0x1d3: {  	v23 =	vbroadcast v24, $0x0;
	v16 =	vnsel vm1, $0x0, v9;
	vm1 =	vgt.s32 v12, $0x0;
	[tilespmem:v22+s25+$0x0] =	vst.idx.msk vm4, v20  }
0x1d4: {  	vm3 =	vgt.s32 v27, $0x0;
	v20 =	vnsel vm1, $0x0, v12;
	vm1 =	vlt.u32 v28, $0xC380;
	v22 =	vld.idx.msk [tilespmem:v29+s5+$0x0], $0xffff  }
0x1d5: {  	v19 =	vmin.u32 v19, $0xC37F;
	v23 =	vor.u32 v7, v23;
	v24 =	vnsel vm3, $0x0, v27  }
0x1d6: {  	v25 =	vmin.u32 v15, $0xC37F;
	v26 =	vmin.u32 v17, $0xC37F;
	v24 =	vmin.u32 v24, $0xC37F;
	[tilespmem:v21+s25+$0x0] =	vst.idx.msk vm2, v14  }
0x1d7: {  	v28 =	vmin.u32 v16, $0xC37F;
	v21 =	vmin.u32 v18, $0xC37F;
	v14 =	vmin.u32 v20, $0xC37F  }
0x1d8: {  	v15 =	vmov s0;
	v17 =	vmov s3;
	v16 =	vmov s2  }
0x1d9: {  	v29 =	vmov s21;
	v18 =	vmov s4;
	v20 =	vmov s18  }
0x1da: {  	v31 =	vmov s26;
	v30 =	vshrl.u32 v15, $0x7;
	v16 =	vshrl.u32 v16, $0x7;
	v15 =	vld.idx.msk [tilespmem:v19+s5+$0x0], $0xffff;
	[tilespmem:v23+s25+$0x0] =	vst.idx.msk vm1, v22  }
.Ltmp5:
0x1db: {  	v20 =	vshrl.u32 v20, $0x7;
	v22 =	vshrl.u32 v17, $0x7;
	v23 =	vshrl.u32 v18, $0x7;
	v19 =	vld.idx.msk [tilespmem:v24+s5+$0x0], $0xffff;
	(pc) =	sbr.rel @p2 .LBB2_13-.Ltmp5, $4  }
0x1dc: {  	v31 =	vshrl.u32 v31, $0x7;
	v30 =	vshll.u32 v30, v8;
	v29 =	vshrl.u32 v29, $0x7;
	v17 =	vld.idx.msk [tilespmem:v25+s5+$0x0], $0xffff  }
0x1dd: {  	v32 =	vshll.u32 v16, v8;
	v24 =	vshll.u32 v23, v8;
	v25 =	vshll.u32 v22, v8;
	v18 =	vld.idx.msk [tilespmem:v26+s5+$0x0], $0xffff  }
0x1de: {  	v23 =	vshll.u32 v20, v8;
	v22 =	vshll.u32 v29, v8;
	v16 =	vld.idx.msk [tilespmem:v21+s5+$0x0], $0xffff;
	v21 =	vshll.u32 v31, v8  }
0x1df: {  	s29 =	sadd.s32 $0x80, s29;
	vm1 =	vlt.u32 v27, $0xC380;
	v27 =	vbroadcast v30, $0x0;
	v26 =	vbroadcast v32, $0x0;
	v20 =	vld.idx.msk [tilespmem:v28+s5+$0x0], $0xffff  }
0x1e0: {  	_ = 	snop  }
0x1e1: {  	v25 =	vbroadcast v25, $0x0;
	vm0 =	vmmov vm0;
	v27 =	vor.u32 v0, v27  }
0x1e2: {  	vm2 =	vlt.u32 v13, $0xC380;
	v13 =	vbroadcast v24, $0x0;
	v24 =	vor.u32 v1, v26  }
0x1e3: {  	v23 =	vbroadcast v23, $0x0;
	vm3 =	vlt.u32 v11, $0xC380;
	v25 =	vor.u32 v2, v25  }
0x1e4: {  	v11 =	vbroadcast v22, $0x0;
	vm4 =	vlt.u32 v10, $0xC380;
	v13 =	vor.u32 v3, v13  }
0x1e5: {  	v10 =	vbroadcast v21, $0x0;
	vm5 =	vlt.u32 v9, $0xC380;
	v21 =	vor.u32 v4, v23  }
0x1e6: {  	vm6 =	vlt.u32 v12, $0xC380;
	v9 =	vor.u32 v5, v11;
	[tilespmem:v27+s25+$0x0] =	vst.idx.msk vm1, v19  }
0x1e7: {  	v10 =	vor.u32 v6, v10;
	v11 =	vld.idx.msk [tilespmem:v14+s5+$0x0], $0xffff;
	[tilespmem:v24+s25+$0x0] =	vst.idx.msk vm0, v15  }
0x1e8: {  	[tilespmem:v25+s25+$0x0] =	vst.idx.msk vm2, v17  }
0x1e9: {  	[tilespmem:v13+s25+$0x0] =	vst.idx.msk vm3, v18  }
0x1ea: {  	[tilespmem:v21+s25+$0x0] =	vst.idx.msk vm4, v16  }
0x1eb: {  	[tilespmem:v9+s25+$0x0] =	vst.idx.msk vm5, v20  }
0x1ec: {  	[tilespmem:v10+s25+$0x0] =	vst.idx.msk vm6, v11  }
0x1ed: {  	_ =	swait.ge [sflag:s19], $0xC300  }
0x1ee: {  	[sflag:s19] =	ssyncset.done $0x0  }
0x1ef: {  	[sflag:s19] =	ssyncadd.s32 $0xFFFF3D00  }
0x1f0: {  	_ =	swait.ge [sflag:s19], $0x400  }
0x1f1: {  	[sflag:s19] =	ssyncset.done $0x0  }
0x1f2: {  	[sflag:s19] =	ssyncadd.s32 $0xFFFFFC00  }
0x1f3: {  	v9 =	vld [tilespmem:s11+$0x18700];
	_ =	sdelay $0x4  }
0x1f4: {  	[tilespmem:$0x18680] =	vst v9  }
0x1f5: {  	v9 =	vld [tilespmem:s11+$0x18710]  }
0x1f6: {  	s0 =	smul.u32 $0x30E000, s13;
	_ =	sdelay $0x1  }
0x1f7: {  	s0 =	sadd.s32 s6, s0  }
0x1f8: {  	s0 =	sshrl.u32 s0, $0x3;
	s2 =	rddreg [dreg:$0x0]  }
0x1f9: {  	s21 =	simm.s32 $0x0;
	s0 =	sadd.s32 s2, s0;
	[tilespmem:$0x18690] =	vst v9  }
0x1fa: {  	[tilespmem:s21], [sflag:$0x1] =	stream.strided.gather [hbm4b:s0+s16], $0xC380, s17, s16, $0x38;
	[tilespmem:$0x1F300] =	vst v63  }
0x1fb: {  	_ = 	snop  }
0x1fc: {  	[tilespmem:s23], [sflag:$0x4] =	stream.strided.gather [spmem:s7], $0x2000, s22, s16, $0x38;
	[tilespmem:$0x1F300] =	vst v63  }
0x1fd: {  	_ =	swait.ge [sflag:s24], $0x2000  }
0x1fe: {  	[sflag:s24] =	ssyncset.done $0x0  }
0x1ff: {  	s26 =	simm.s32 $0x18B40;
	[sflag:s24] =	ssyncadd.s32 $0xFFFFE000  }
0x200: {  	v9 =	vld [tilespmem:s26+$0x30]  }
0x201: {  	v10 =	vld [tilespmem:s26+$0xFFFFFFD0]  }
0x202: {  	v11 =	vld [tilespmem:s26+$0xFFFFFFE0]  }
0x203: {  	v18 =	vmov s21;
	v12 =	vld [tilespmem:s26+$0xFFFFFFF0]  }
0x204: {  	v18 =	vshrl.u32 v18, $0x7;
	v13 =	vld [tilespmem:s26+$0x0]  }
0x205: {  	v18 =	vshll.u32 v18, $0x7;
	v14 =	vld [tilespmem:s26+$0x10]  }
0x206: {  	v18 =	vbroadcast v18, $0x0;
	v15 =	vld [tilespmem:s26+$0x20]  }
0x207: {  	s29 =	simm.s32 $0x18BC0;
	v16 =	vld [tilespmem:s26+$0xFFFFFFC0]  }
0x208: {  	v21 =	vor.u32 v7, v18;
	v26 =	vld [tilespmem:s29+$0x30]  }
0x209: {  	v28 =	vor.u32 v0, v18;
	v31 =	vor.u32 v1, v18;
	v33 =	vor.u32 v2, v18  }
0x20a: {  	v34 =	vor.u32 v3, v18;
	v9 =	vadd.s32 $0xFFFF3C80, v9;
	v10 =	vadd.s32 $0xFFFF3C80, v10  }
0x20b: {  	v11 =	vadd.s32 $0xFFFF3C80, v11;
	v12 =	vadd.s32 $0xFFFF3C80, v12;
	v13 =	vadd.s32 $0xFFFF3C80, v13  }
0x20c: {  	v14 =	vadd.s32 $0xFFFF3C80, v14;
	v15 =	vadd.s32 $0xFFFF3C80, v15;
	v16 =	vadd.s32 $0xFFFF3C80, v16  }
0x20d: {  	v35 =	vadd.s32 $0xFFFF3C80, v26;
	vm0 =	vgt.s32 v9, $0x0;
	vm1 =	vgt.s32 v10, $0x0  }
0x20e: {  	vm2 =	vgt.s32 v12, $0x0;
	vm3 =	vgt.s32 v13, $0x0;
	vm5 =	vgt.s32 v14, $0x0  }
0x20f: {  	v27 =	vld [tilespmem:s29+$0xFFFFFFE0];
	vm6 =	vgt.s32 v15, $0x0;
	vm7 =	vgt.s32 v16, $0x0;
	vm4 =	vlt.u32 v9, $0xC320  }
0x210: {  	vm8 =	vlt.u32 v16, $0xC320;
	v17 =	vnsel vm0, $0x0, v9;
	vm0 =	vgt.s32 v11, $0x0  }
0x211: {  	v19 =	vnsel vm1, $0x0, v10;
	v9 =	vnsel vm7, $0x0, v16;
	v22 =	vnsel vm2, $0x0, v12  }
0x212: {  	v23 =	vnsel vm3, $0x0, v13;
	v24 =	vnsel vm5, $0x0, v14;
	vm5 =	vlt.u32 v11, $0xC320  }
0x213: {  	vm3 =	vlt.u32 v12, $0xC320;
	vm2 =	vlt.u32 v13, $0xC320;
	vm1 =	vlt.u32 v15, $0xC320  }
0x214: {  	vm7 =	vgt.s32 v35, $0x0;
	v13 =	vadd.s32 $0xFFFF3C80, v27;
	v17 =	vmin.u32 v17, $0xC31F  }
0x215: {  	v26 =	vld [tilespmem:s29+$0xFFFFFFC0];
	v20 =	vnsel vm0, $0x0, v11;
	v25 =	vmin.u32 v9, $0xC31F;
	v19 =	vmin.u32 v19, $0xC31F  }
0x216: {  	v16 =	vld [tilespmem:s29+$0xFFFFFFD0];
	v9 =	vnsel vm6, $0x0, v15;
	v22 =	vmin.u32 v22, $0xC31F;
	v23 =	vmin.u32 v23, $0xC31F  }
0x217: {  	v24 =	vmin.u32 v24, $0xC31F;
	vm6 =	vlt.u32 v10, $0xC320;
	vm0 =	vlt.u32 v14, $0xC320;
	v14 =	vld [tilespmem:s29+$0xFFFFFFF0]  }
0x218: {  	v29 =	vld [tilespmem:s29+$0x0];
	v11 =	vor.u32 v4, v18;
	v10 =	vor.u32 v5, v18;
	vm1 =	vmmov vm1  }
0x219: {  	v30 =	vld [tilespmem:s29+$0x10];
	vm10 =	vgt.s32 v13, $0x0;
	v20 =	vmin.u32 v20, $0xC31F;
	v32 =	vmin.u32 v9, $0xC31F  }
0x21a: {  	v9 =	vor.u32 v6, v18;
	v18 =	vld [tilespmem:s29+$0x20];
	v62 =	vnsel vm10, $0x0, v13;
	v26 =	vadd.s32 $0xFFFF3C80, v26  }
0x21b: {  	s13 =	simm.s32 $0x80;
	v12 =	vadd.s32 $0xFFFF3C80, v16;
	v16 =	vnsel vm7, $0x0, v35;
	vm7 =	vlt.u32 v35, $0xC320;
	v27 =	vld.idx.msk [tilespmem:v17+s20+$0x0], $0xffff  }
0x21c: {  	v15 =	vadd.s32 $0xFFFF3C80, v14;
	v36 =	vmin.u32 v16, $0xC31F;
	v25 =	vld.idx.msk [tilespmem:v25+s20+$0x0], $0xffff;
	v14 =	vmov s13  }
0x21d: {  	vm9 =	vgt.s32 v12, $0x0;
	v16 =	vadd.s32 $0xFFFF3C80, v29;
	v19 =	vld.idx.msk [tilespmem:v19+s20+$0x0], $0xffff;
	v14 =	vshrl.u32 v14, $0x7  }
0x21e: {  	v17 =	vadd.s32 $0xFFFF3C80, v30;
	v37 =	vld.idx.msk [tilespmem:v22+s20+$0x0], $0xffff;
	vm11 =	vgt.s32 v15, $0x0;
	v14 =	vshll.u32 v14, $0x7  }
0x21f: {  	vm12 =	vgt.s32 v16, $0x0;
	v20 =	vld.idx.msk [tilespmem:v20+s20+$0x0], $0xffff;
	v18 =	vadd.s32 $0xFFFF3C80, v18;
	v14 =	vbroadcast v14, $0x0  }
0x220: {  	v29 =	vld.idx.msk [tilespmem:v23+s20+$0x0], $0xffff;
	vm13 =	vgt.s32 v17, $0x0;
	vm14 =	vgt.s32 v18, $0x0;
	v63 =	vnsel vm11, $0x0, v15;
	[tilespmem:v21+s25+$0x0] =	vst.idx.msk vm4, v27  }
0x221: {  	v38 =	vnsel vm12, $0x0, v16;
	v30 =	vnsel vm13, $0x0, v17;
	v27 =	vor.u32 v7, v14;
	[tilespmem:v28+s25+$0x0] =	vst.idx.msk vm8, v25;
	v25 =	vld.idx.msk [tilespmem:v36+s20+$0x0], $0xffff  }
0x222: {  	vm4 =	vgt.s32 v26, $0x0;
	v21 =	vnsel vm9, $0x0, v12;
	[tilespmem:v31+s25+$0x0] =	vst.idx.msk vm6, v19;
	v28 =	vld.idx.msk [tilespmem:v24+s20+$0x0], $0xffff;
	v31 =	vnsel vm14, $0x0, v18  }
0x223: {  	v19 =	vmin.u32 v38, $0xC31F;
	[tilespmem:v34+s25+$0x0] =	vst.idx.msk vm3, v37;
	v22 =	vnsel vm4, $0x0, v26;
	v21 =	vmin.u32 v21, $0xC31F  }
0x224: {  	s15 =	simm.s32 $0x8;
	s28 =	simm.s32 $0x18C40;
	v24 =	vld.idx.msk [tilespmem:v32+s20+$0x0], $0xffff;
	[tilespmem:v33+s25+$0x0] =	vst.idx.msk vm5, v20;
	v20 =	vmin.u32 v63, $0xC31F;
	v23 =	vmin.u32 v22, $0xC31F;
	v22 =	vmin.u32 v62, $0xC31F  }
.LBB2_15:
0x225: {  	v32 =	vld [tilespmem:s28+$0x30];
	s15 =	sadd.s32 $0x8, s15;
	vm5 =	vlt.u32 v26, $0xC320;
	v30 =	vmin.u32 v30, $0xC31F;
	v31 =	vmin.u32 v31, $0xC31F;
	[tilespmem:v11+s25+$0x0] =	vst.idx.msk vm2, v29  }
0x226: {  	vm6 =	vlt.u32 v12, $0xC320;
	vm4 =	vlt.u32 v13, $0xC320;
	vm3 =	vlt.u32 v15, $0xC320;
	v26 =	vld [tilespmem:s28+$0xFFFFFFD0];
	p2 =	slt.u32 s15, $0x1F8;
	[tilespmem:v27+s25+$0x0] =	vst.idx.msk vm7, v25  }
0x227: {  	vm2 =	vlt.u32 v16, $0xC320;
	vm7 =	vlt.u32 v18, $0xC320;
	v13 =	vld [tilespmem:s28+$0xFFFFFFE0];
	[tilespmem:v10+s25+$0x0] =	vst.idx.msk vm0, v28;
	vm0 =	vlt.u32 v17, $0xC320  }
0x228: {  	v33 =	vor.u32 v1, v14;
	v34 =	vor.u32 v2, v14;
	v28 =	vor.u32 v0, v14;
	v15 =	vld [tilespmem:s28+$0xFFFFFFF0]  }
0x229: {  	v35 =	vor.u32 v3, v14;
	v11 =	vor.u32 v4, v14;
	v10 =	vor.u32 v5, v14;
	v16 =	vld [tilespmem:s28+$0x0]  }
0x22a: {  	v17 =	vld [tilespmem:s28+$0x10];
	v25 =	vadd.s32 $0xFFFF3C80, v32;
	[tilespmem:v9+s25+$0x0] =	vst.idx.msk vm1, v24;
	v9 =	vor.u32 v6, v14;
	vm1 =	vmmov vm7  }
0x22b: {  	v12 =	vadd.s32 $0xFFFF3C80, v26;
	v14 =	vld [tilespmem:s28+$0x20];
	vm7 =	vgt.s32 v25, $0x0  }
0x22c: {  	v24 =	vld [tilespmem:s28+$0xFFFFFFC0];
	vm8 =	vgt.s32 v12, $0x0;
	v13 =	vadd.s32 $0xFFFF3C80, v13;
	v18 =	vnsel vm7, $0x0, v25  }
0x22d: {  	s13 =	sadd.s32 $0x80, s13;
	vm9 =	vgt.s32 v13, $0x0;
	v15 =	vadd.s32 $0xFFFF3C80, v15;
	v27 =	vmin.u32 v18, $0xC31F;
	v23 =	vld.idx.msk [tilespmem:v23+s20+$0x0], $0xffff  }
0x22e: {  	v18 =	vmov s13;
	vm10 =	vgt.s32 v15, $0x0;
	v16 =	vadd.s32 $0xFFFF3C80, v16;
	v21 =	vld.idx.msk [tilespmem:v21+s20+$0x0], $0xffff  }
0x22f: {  	v18 =	vshrl.u32 v18, $0x7;
	vm11 =	vgt.s32 v16, $0x0;
	v17 =	vadd.s32 $0xFFFF3C80, v17;
	v22 =	vld.idx.msk [tilespmem:v22+s20+$0x0], $0xffff  }
0x230: {  	v29 =	vshll.u32 v18, $0x7;
	vm12 =	vgt.s32 v17, $0x0;
	v18 =	vadd.s32 $0xFFFF3C80, v14;
	v32 =	vld.idx.msk [tilespmem:v20+s20+$0x0], $0xffff  }
0x231: {  	v14 =	vbroadcast v29, $0x0;
	v26 =	vadd.s32 $0xFFFF3C80, v24;
	vm13 =	vgt.s32 v18, $0x0;
	v29 =	vld.idx.msk [tilespmem:v19+s20+$0x0], $0xffff  }
.Ltmp6:
0x232: {  	vm7 =	vlt.u32 v25, $0xC320;
	v19 =	vnsel vm8, $0x0, v12;
	vm14 =	vgt.s32 v26, $0x0;
	v25 =	vld.idx.msk [tilespmem:v27+s20+$0x0], $0xffff;
	(pc) =	sbr.rel @p2 .LBB2_15-.Ltmp6, $4  }
0x233: {  	v36 =	vnsel vm9, $0x0, v13;
	v27 =	vor.u32 v7, v14;
	v20 =	vnsel vm14, $0x0, v26;
	[tilespmem:v28+s25+$0x0] =	vst.idx.msk vm5, v23;
	v28 =	vld.idx.msk [tilespmem:v30+s20+$0x0], $0xffff  }
0x234: {  	v37 =	vnsel vm10, $0x0, v15;
	v38 =	vnsel vm11, $0x0, v16;
	v30 =	vnsel vm12, $0x0, v17;
	[tilespmem:v33+s25+$0x0] =	vst.idx.msk vm6, v21;
	v24 =	vld.idx.msk [tilespmem:v31+s20+$0x0], $0xffff  }
0x235: {  	v23 =	vmin.u32 v20, $0xC31F;
	v21 =	vmin.u32 v19, $0xC31F;
	v31 =	vnsel vm13, $0x0, v18;
	[tilespmem:v34+s25+$0x0] =	vst.idx.msk vm4, v22  }
0x236: {  	s28 =	sadd.s32 $0x80, s28;
	v20 =	vmin.u32 v37, $0xC31F;
	v19 =	vmin.u32 v38, $0xC31F;
	v22 =	vmin.u32 v36, $0xC31F;
	[tilespmem:v35+s25+$0x0] =	vst.idx.msk vm3, v32  }
0x237: {  	_ =	sdelay $0x3  }
0x238: {  	vm3 =	vlt.u32 v26, $0xC320  }
0x239: {  	vm4 =	vlt.u32 v12, $0xC320;
	v12 =	vor.u32 v0, v14;
	v23 =	vld.idx.msk [tilespmem:v23+s20+$0x0], $0xffff;
	[tilespmem:v11+s25+$0x0] =	vst.idx.msk vm2, v29;
	v11 =	vmin.u32 v31, $0xC31F  }
0x23a: {  	v26 =	vmin.u32 v30, $0xC31F;
	vm2 =	vlt.u32 v13, $0xC320;
	v13 =	vor.u32 v1, v14;
	v21 =	vld.idx.msk [tilespmem:v21+s20+$0x0], $0xffff  }
0x23b: {  	vm5 =	vlt.u32 v15, $0xC320;
	[tilespmem:v27+s25+$0x0] =	vst.idx.msk vm7, v25;
	v15 =	vor.u32 v2, v14;
	v22 =	vld.idx.msk [tilespmem:v22+s20+$0x0], $0xffff  }
0x23c: {  	vm6 =	vlt.u32 v16, $0xC320;
	v16 =	vld.idx.msk [tilespmem:v20+s20+$0x0], $0xffff;
	[tilespmem:v10+s25+$0x0] =	vst.idx.msk vm0, v28;
	v10 =	vor.u32 v3, v14  }
0x23d: {  	vm11 =	vlt.u32 v18, $0xC320;
	vm0 =	vlt.u32 v17, $0xC320;
	v17 =	vor.u32 v4, v14;
	[tilespmem:v9+s25+$0x0] =	vst.idx.msk vm1, v24;
	v9 =	vld.idx.msk [tilespmem:v19+s20+$0x0], $0xffff  }
0x23e: {  	v18 =	vor.u32 v5, v14;
	v14 =	vor.u32 v6, v14;
	v11 =	vld.idx.msk [tilespmem:v11+s20+$0x0], $0xffff;
	[tilespmem:v12+s25+$0x0] =	vst.idx.msk vm3, v23  }
0x23f: {  	v12 =	vld.idx.msk [tilespmem:v26+s20+$0x0], $0xffff;
	[tilespmem:v13+s25+$0x0] =	vst.idx.msk vm4, v21  }
0x240: {  	[tilespmem:v15+s25+$0x0] =	vst.idx.msk vm2, v22  }
0x241: {  	[tilespmem:v10+s25+$0x0] =	vst.idx.msk vm5, v16  }
0x242: {  	[tilespmem:v17+s25+$0x0] =	vst.idx.msk vm6, v9  }
0x243: {  	[tilespmem:v14+s25+$0x0] =	vst.idx.msk vm11, v11  }
0x244: {  	[tilespmem:v18+s25+$0x0] =	vst.idx.msk vm0, v12  }
0x245: {  	[tilespmem:s23], [sflag:$0x4] =	stream.strided.gather [spmem:s10], $0x2000, s22, s16, $0x38;
	[tilespmem:$0x1F300] =	vst v63  }
0x246: {  	_ =	swait.ge [sflag:s24], $0x2000  }
0x247: {  	[sflag:s24] =	ssyncset.done $0x0  }
0x248: {  	s0 =	simm.s32 $0x18B40;
	[sflag:s24] =	ssyncadd.s32 $0xFFFFE000  }
0x249: {  	v9 =	vld [tilespmem:s0+$0x30]  }
0x24a: {  	v10 =	vld [tilespmem:s0+$0xFFFFFFD0]  }
0x24b: {  	v11 =	vld [tilespmem:s0+$0xFFFFFFE0]  }
0x24c: {  	v12 =	vld [tilespmem:s0+$0xFFFFFFF0]  }
0x24d: {  	s3 =	simm.s32 $0x2020;
	v13 =	vld [tilespmem:s0+$0x0]  }
0x24e: {  	s4 =	simm.s32 $0x2030;
	s15 =	simm.s32 $0x2050;
	s18 =	simm.s32 $0x2060;
	v27 =	vmov s3;
	v14 =	vld [tilespmem:s0+$0x10]  }
0x24f: {  	s13 =	simm.s32 $0x2070;
	v28 =	vmov s4;
	v31 =	vmov s15;
	v32 =	vmov s18;
	v16 =	vld [tilespmem:s0+$0x20]  }
0x250: {  	vm1 =	vmmov vm11;
	v19 =	vmov s13;
	v27 =	vshrl.u32 v27, $0x7;
	v17 =	vld [tilespmem:s0+$0xFFFFFFC0]  }
0x251: {  	v31 =	vshrl.u32 v31, $0x7;
	v32 =	vshrl.u32 v32, $0x7;
	v19 =	vshrl.u32 v19, $0x7  }
0x252: {  	v34 =	vshll.u32 v27, v8;
	v15 =	vadd.s32 $0xFFFF3C80, v9;
	v9 =	vadd.s32 $0xFFFF3C80, v10  }
0x253: {  	v10 =	vadd.s32 $0xFFFF3C80, v11;
	v11 =	vadd.s32 $0xFFFF3C80, v12;
	v12 =	vadd.s32 $0xFFFF3C80, v13  }
0x254: {  	v13 =	vadd.s32 $0xFFFF3C80, v14;
	v14 =	vadd.s32 $0xFFFF3C80, v16;
	v16 =	vshll.u32 v19, v8  }
0x255: {  	v21 =	vadd.s32 $0xFFFF3C80, v17;
	vm0 =	vgt.s32 v15, $0x0;
	vm1 =	vgt.s32 v9, $0x0  }
0x256: {  	vm2 =	vgt.s32 v10, $0x0;
	vm3 =	vgt.s32 v11, $0x0;
	vm12 =	vgt.s32 v12, $0x0  }
0x257: {  	vm13 =	vgt.s32 v13, $0x0;
	vm15 =	vgt.s32 v21, $0x0;
	v18 =	vnsel vm0, $0x0, v15  }
0x258: {  	vm0 =	vlt.u32 v15, $0xC320;
	v15 =	vnsel vm15, $0x0, v21;
	v18 =	vmin.u32 v18, $0xC31F  }
0x259: {  	vm14 =	vgt.s32 v14, $0x0;
	v17 =	vnsel vm1, $0x0, v9;
	v23 =	vmin.u32 v15, $0xC31F  }
0x25a: {  	v16 =	vbroadcast v16, $0x0;
	v20 =	vnsel vm12, $0x0, v12;
	v25 =	vmin.u32 v17, $0xC31F  }
0x25b: {  	v19 =	vnsel vm2, $0x0, v10;
	v22 =	vnsel vm13, $0x0, v13;
	v20 =	vmin.u32 v20, $0xC31F  }
0x25c: {  	v24 =	vor.u32 v7, v16;
	v16 =	vnsel vm3, $0x0, v11;
	v19 =	vmin.u32 v19, $0xC31F  }
0x25d: {  	s26 =	simm.s32 $0x2000;
	s2 =	simm.s32 $0x2010;
	v15 =	vnsel vm14, $0x0, v14;
	v29 =	vmin.u32 v22, $0xC31F;
	v26 =	vmin.u32 v16, $0xC31F;
	v30 =	vld.idx.msk [tilespmem:v18+s20+$0x0], $0xffff  }
0x25e: {  	s29 =	simm.s32 $0x2040;
	v22 =	vmov s2;
	v16 =	vmov s26;
	v15 =	vmin.u32 v15, $0xC31F;
	v17 =	vld.idx.msk [tilespmem:v23+s20+$0x0], $0xffff  }
0x25f: {  	v22 =	vshrl.u32 v22, $0x7;
	v18 =	vmov s29;
	v23 =	vshrl.u32 v16, $0x7;
	v16 =	vld.idx.msk [tilespmem:v25+s20+$0x0], $0xffff  }
0x260: {  	v33 =	vshll.u32 v22, v8;
	v25 =	vshrl.u32 v28, $0x7;
	v20 =	vld.idx.msk [tilespmem:v20+s20+$0x0], $0xffff;
	v28 =	vshrl.u32 v18, $0x7  }
0x261: {  	v23 =	vshll.u32 v23, v8;
	v18 =	vld.idx.msk [tilespmem:v19+s20+$0x0], $0xffff;
	v27 =	vshll.u32 v25, v8;
	v25 =	vshll.u32 v31, v8  }
0x262: {  	v19 =	vld.idx.msk [tilespmem:v26+s20+$0x0], $0xffff;
	v26 =	vshll.u32 v28, v8;
	v22 =	vbroadcast v23, $0x0;
	v23 =	vshll.u32 v32, v8  }
0x263: {  	s28 =	simm.s32 $0x18BC0;
	s15 =	simm.s32 $0x0;
	v28 =	vbroadcast v33, $0x0;
	[tilespmem:v24+s25+$0x0] =	vst.idx.msk vm0, v30;
	vm0 =	vlt.u32 v21, $0xC320;
	v24 =	vbroadcast v34, $0x0;
	v21 =	vld.idx.msk [tilespmem:v29+s20+$0x0], $0xffff  }
.LBB2_17:
0x264: {  	v29 =	vld [tilespmem:s28+$0x30];
	s15 =	sadd.s32 $0x8, s15;
	vm6 =	vlt.u32 v9, $0xC320;
	v9 =	vbroadcast v27, $0x0;
	v26 =	vbroadcast v26, $0x0  }
0x265: {  	vm5 =	vlt.u32 v10, $0xC320;
	v10 =	vbroadcast v25, $0x0;
	v23 =	vbroadcast v23, $0x0;
	v27 =	vld [tilespmem:s28+$0xFFFFFFD0];
	p2 =	slt.u32 s15, $0x1F8  }
0x266: {  	vm4 =	vlt.u32 v11, $0xC320;
	vm3 =	vlt.u32 v12, $0xC320;
	vm1 =	vlt.u32 v13, $0xC320;
	v25 =	vld [tilespmem:s28+$0xFFFFFFE0]  }
0x267: {  	v12 =	vor.u32 v0, v22;
	vm2 =	vlt.u32 v14, $0xC320;
	v13 =	vor.u32 v1, v28;
	v11 =	vld [tilespmem:s28+$0xFFFFFFF0]  }
0x268: {  	v22 =	vor.u32 v2, v24;
	v24 =	vor.u32 v3, v9;
	v26 =	vor.u32 v4, v26;
	v14 =	vld [tilespmem:s28+$0x0]  }
0x269: {  	v30 =	vor.u32 v5, v10;
	v23 =	vor.u32 v6, v23;
	v28 =	vld [tilespmem:s28+$0x10];
	v29 =	vadd.s32 $0xFFFF3C80, v29  }
0x26a: {  	v9 =	vadd.s32 $0xFFFF3C80, v27;
	v27 =	vld [tilespmem:s28+$0x20];
	vm7 =	vgt.s32 v29, $0x0  }
0x26b: {  	v31 =	vld [tilespmem:s28+$0xFFFFFFC0];
	vm8 =	vgt.s32 v9, $0x0;
	v10 =	vadd.s32 $0xFFFF3C80, v25;
	v25 =	vnsel vm7, $0x0, v29  }
0x26c: {  	s13 =	sadd.s32 $0x80, s13;
	vm7 =	vgt.s32 v10, $0x0;
	v11 =	vadd.s32 $0xFFFF3C80, v11;
	v25 =	vmin.u32 v25, $0xC31F;
	[tilespmem:v12+s25+$0x0] =	vst.idx.msk vm0, v17;
	v15 =	vld.idx.msk [tilespmem:v15+s20+$0x0], $0xffff  }
0x26d: {  	s0 =	sadd.s32 $0xFFFFFF90, s13;
	s2 =	sadd.s32 $0xFFFFFFA0, s13;
	s3 =	sadd.s32 $0xFFFFFFB0, s13;
	vm0 =	vgt.s32 v11, $0x0;
	v12 =	vadd.s32 $0xFFFF3C80, v14;
	v14 =	vmov s13;
	[tilespmem:v13+s25+$0x0] =	vst.idx.msk vm6, v16  }
0x26e: {  	s4 =	sadd.s32 $0xFFFFFFC0, s13;
	s18 =	sadd.s32 $0xFFFFFFD0, s13;
	s21 =	sadd.s32 $0xFFFFFFE0, s13;
	vm6 =	vgt.s32 v12, $0x0;
	v13 =	vadd.s32 $0xFFFF3C80, v28;
	v16 =	vshrl.u32 v14, $0x7;
	[tilespmem:v22+s25+$0x0] =	vst.idx.msk vm5, v18  }
0x26f: {  	s26 =	sadd.s32 $0xFFFFFFF0, s13;
	vm5 =	vgt.s32 v13, $0x0;
	v14 =	vadd.s32 $0xFFFF3C80, v27;
	v16 =	vshll.u32 v16, v8;
	[tilespmem:v24+s25+$0x0] =	vst.idx.msk vm4, v19  }
0x270: {  	v24 =	vadd.s32 $0xFFFF3C80, v31;
	vm4 =	vgt.s32 v14, $0x0;
	v16 =	vbroadcast v16, $0x0;
	[tilespmem:v26+s25+$0x0] =	vst.idx.msk vm3, v20  }
0x271: {  	v17 =	vnsel vm8, $0x0, v9;
	vm8 =	vlt.u32 v29, $0xC320;
	vm3 =	vgt.s32 v24, $0x0;
	v18 =	vld.idx.msk [tilespmem:v25+s20+$0x0], $0xffff;
	[tilespmem:v30+s25+$0x0] =	vst.idx.msk vm1, v21  }
0x272: {  	v20 =	vnsel vm7, $0x0, v10;
	v19 =	vnsel vm3, $0x0, v24;
	v16 =	vor.u32 v7, v16;
	[tilespmem:v23+s25+$0x0] =	vst.idx.msk vm2, v15  }
0x273: {  	v22 =	vnsel vm5, $0x0, v13;
	v21 =	vnsel vm6, $0x0, v12;
	v15 =	vnsel vm0, $0x0, v11  }
0x274: {  	v23 =	vmin.u32 v17, $0xC31F;
	v17 =	vnsel vm4, $0x0, v14;
	v19 =	vmin.u32 v19, $0xC31F  }
0x275: {  	v20 =	vmin.u32 v20, $0xC31F;
	v21 =	vmin.u32 v21, $0xC31F;
	v25 =	vmin.u32 v15, $0xC31F  }
0x276: {  	v26 =	vmov s0;
	v29 =	vmin.u32 v22, $0xC31F;
	v15 =	vmin.u32 v17, $0xC31F  }
0x277: {  	v28 =	vmov s4;
	v27 =	vmov s3;
	v22 =	vmov s2;
	[tilespmem:v16+s25+$0x0] =	vst.idx.msk vm8, v18  }
0x278: {  	v31 =	vmov s26;
	v30 =	vmov s21;
	v18 =	vmov s18  }
0x279: {  	v22 =	vshrl.u32 v22, $0x7;
	v17 =	vld.idx.msk [tilespmem:v19+s20+$0x0], $0xffff;
	v19 =	vshrl.u32 v26, $0x7;
	v26 =	vshrl.u32 v27, $0x7  }
.Ltmp7:
0x27a: {  	v30 =	vshrl.u32 v30, $0x7;
	v16 =	vld.idx.msk [tilespmem:v23+s20+$0x0], $0xffff;
	v23 =	vshrl.u32 v28, $0x7;
	v28 =	vshrl.u32 v18, $0x7;
	(pc) =	sbr.rel @p2 .LBB2_17-.Ltmp7, $4  }
0x27b: {  	v31 =	vshrl.u32 v31, $0x7;
	v33 =	vshll.u32 v22, v8;
	v32 =	vshll.u32 v19, v8;
	v18 =	vld.idx.msk [tilespmem:v20+s20+$0x0], $0xffff  }
0x27c: {  	v34 =	vshll.u32 v26, v8;
	v27 =	vshll.u32 v23, v8;
	v26 =	vshll.u32 v28, v8;
	v19 =	vld.idx.msk [tilespmem:v25+s20+$0x0], $0xffff  }
0x27d: {  	v22 =	vbroadcast v32, $0x0;
	v23 =	vshll.u32 v31, v8;
	v25 =	vshll.u32 v30, v8;
	v20 =	vld.idx.msk [tilespmem:v21+s20+$0x0], $0xffff  }
0x27e: {  	s28 =	sadd.s32 $0x80, s28;
	vm0 =	vlt.u32 v24, $0xC320;
	v28 =	vbroadcast v33, $0x0;
	v24 =	vbroadcast v34, $0x0;
	v21 =	vld.idx.msk [tilespmem:v29+s20+$0x0], $0xffff  }
0x27f: {  	vm1 =	vlt.u32 v9, $0xC320;
	v9 =	vor.u32 v0, v22  }
0x280: {  	v58 =	vbroadcast v27, $0x0;
	vm2 =	vlt.u32 v10, $0xC320;
	v10 =	vor.u32 v1, v28  }
0x281: {  	v26 =	vbroadcast v26, $0x0;
	vm3 =	vlt.u32 v11, $0xC320;
	v11 =	vor.u32 v2, v24  }
0x282: {  	vm4 =	vlt.u32 v12, $0xC320;
	v60 =	vor.u32 v3, v58  }
0x283: {  	v62 =	vor.u32 v4, v26  }
0x284: {  	v59 =	vbroadcast v25, $0x0;
	[tilespmem:v9+s25+$0x0] =	vst.idx.msk vm0, v17  }
0x285: {  	v61 =	vbroadcast v23, $0x0;
	vm5 =	vlt.u32 v13, $0xC320;
	[tilespmem:v10+s25+$0x0] =	vst.idx.msk vm1, v16  }
0x286: {  	vm6 =	vlt.u32 v14, $0xC320;
	v63 =	vor.u32 v5, v59;
	[tilespmem:v11+s25+$0x0] =	vst.idx.msk vm2, v18  }
0x287: {  	v15 =	vld.idx.msk [tilespmem:v15+s20+$0x0], $0xffff;
	v9 =	vor.u32 v6, v61;
	[tilespmem:v60+s25+$0x0] =	vst.idx.msk vm3, v19  }
0x288: {  	[tilespmem:v62+s25+$0x0] =	vst.idx.msk vm4, v20  }
0x289: {  	s0 =	sshll.u32 s8, $0x13;
	s2 =	rddreg [dreg:$0x9]  }
0x28a: {  	s0 =	sor.u32 s2, s0  }
0x28b: {  	[tilespmem:v63+s25+$0x0] =	vst.idx.msk vm5, v21;
	s0 =	sshrl.u32 s0, $0x3  }
0x28c: {  	s1 =	sadd.s32 $0x1, s1;
	[tilespmem:v9+s25+$0x0] =	vst.idx.msk vm6, v15;
	s0 =	sadd.s32 s31, s0  }
0x28d: {  	[hbm4b:s0+s16] =	stream.strided.scatter [tilespmem:s25], [sflag:$0x3], $0x4000, s17, s16, $0x38;
	[tilespmem:$0x1F300] =	vst v63  }
0x28e: {  	p2 =	sne.s32 s1, $0xD;
	s0 =	simm.s32 @!p0 $0x2  }
.Ltmp8:
0x28f: {  	_ =	swait.ge @!p0 [sflag:s0], $0x800;
	(pc) =	sbr.rel @p2 .LBB2_2-.Ltmp8, $4  }
0x290: {  	[sflag:s0] =	ssyncset.done @!p0 $0x0  }
0x291: {  	[sflag:s0] =	ssyncadd.s32 @!p0 $0xFFFFF800  }
0x292: {  	[bflag:$0x0] =	sbarrier.arrive $0xFFFF  }
0x293: {  	s26 =	smov.u32 s9  }
0x294: {  	_ =	swait.ge [sflag:s19], $0xC380  }
0x295: {  	[sflag:s19] =	ssyncset.done $0x0  }
0x296: {  	s1 =	simm.s32 $0x3;
	[sflag:s19] =	ssyncadd.s32 $0xFFFF3C80  }
0x297: {  	_ =	swait.ge [sflag:s1], $0x4000  }
0x298: {  	s2 =	rddreg [dreg:$0xc]  }
0x299: {  	s0 =	rddreg [dreg:$0x8];
	s2 =	sadd.s32 $0x1, s2  }
0x29a: {  	p2 =	sne.s32 s2, s0  }
.Ltmp9:
0x29b: {  	_ = 	snop;
	(pc) =	sbr.rel @p2 .LBB2_1-.Ltmp9, $3  }
0x29c: {  	_ =	sdelay $0x1  }
0x29d: {  	[sflag:s1] =	ssyncset.done $0x0  }
0x29e: {  	[sflag:s1] =	ssyncadd.s32 $0xFFFFC000  }
0x29f: {  	_ =	sfence.sel $0x180000  }
0x2a0: {  	[bflag:$0x0] =	sbarrier.arrive $0xFFFF  }
0x2a1: {  	_ =	strace $0x90000047  }
0x2a2: {  	[bflag:$0x2] =	sbarrier.arrive $0xFFFF  }
0x2a3: {  	s0 =	rddreg [dreg:$0x5]  }
0x2a4: {  	s0 =	sadd.s32 @!p0 $0x100000, s0  }
0x2a5: {  	[sflag:s0] =	ssyncadd.tile.s32 @!p0 $0x1;
	_ =	shalt  }
.Lfunc_end2:
_tile_overlayer_lowered:
.L_overlay_start_2:
0x2a6: {  	(tag) =	ssettag $0x2  }
0x2a7: {  	s0 =	rddreg [dreg:$0x0];
	s2 =	stileid.u32  }
0x2a8: {  	s1 =	rddreg [dreg:$0x1];
	p0 =	sne.s32 s2, $0x0  }
0x2a9: {  	s3 =	rddreg [dreg:$0x2];
	[bflag:$0x3] =	sbarrier.arrive $0xFFFF;
	s2 =	simm.s32 @!p0 $0x1C04  }
0x2aa: {  	[timem:s3], [sflag:s2] =	dma.local @!p0 [hbm:s0], s1  }
0x2ab: {  	s0 =	simm.s32 @!p0 $0x4  }
0x2ac: {  	_ =	swait.ge @!p0 [sflag:s0], s1  }
0x2ad: {  	s1 =	ssub.s32 @!p0 $0x0, s1;
	[sflag:s0] =	ssyncset.done @!p0 $0x0  }
0x2ae: {  	[sflag:s0] =	ssyncadd.s32 @!p0 s1  }
0x2af: {  	[bflag:$0x3] =	sbarrier.arrive $0xFFFF  }
0x2b0: {  	_ =	shalt  }

</sc_bundles>
